<compile_context>
chip_gen: v7x
topology: tpu7x:2x2x1
jax: 0.10.2.dev20260603
libtpu: 0.0.44.dev20260713+nightly
codegen_flags: <defaults>
</compile_context>

<pallas_src>
import functools

import jax
import jax.numpy as jnp
from jax.experimental import pallas as pl
from jax.experimental.pallas import tpu as pltpu
from jax.experimental.pallas import tpu_sc as plsc

_B, _C, _L, _V = 16, 32, 1024, 8192
_SEG = (1, 4, 16, 64, 256, 1024)
_BETA = 0.25
_PI = (0, 0, 1, 2, 3, 3)
_VC = 2048


def _quant_body(q_ref, cbT_ref, idx_ref, *, n_rows):
    nchunks = _V // _VC
    q = q_ref[...]

    def step(c, carry):
        m, idx = carry
        sc = jnp.dot(q, cbT_ref[:, pl.ds(c * _VC, _VC)],
                     preferred_element_type=jnp.float32)
        tmax = jnp.max(sc, axis=1, keepdims=True)
        lane = jax.lax.broadcasted_iota(jnp.int32, (n_rows, _VC), 1) + c * _VC
        targ = jnp.min(jnp.where(sc >= tmax, lane, _V), axis=1, keepdims=True)
        better = tmax > m
        return jnp.maximum(m, tmax), jnp.where(better, targ, idx)

    m0 = jnp.full((n_rows, 1), -jnp.inf, jnp.float32)
    i0 = jnp.zeros((n_rows, 1), jnp.int32)
    _, idx = jax.lax.fori_loop(0, nchunks, step, (m0, i0))
    idx_ref[...] = idx


def _quantize_idx(q, cbT):
    n = q.shape[0]
    rc = min(n, 2048)
    return pl.pallas_call(
        functools.partial(_quant_body, n_rows=rc),
        grid=(n // rc,),
        in_specs=[
            pl.BlockSpec((rc, _C), lambda i: (i, 0)),
            pl.BlockSpec((_C, _V), lambda i: (0, 0)),
        ],
        out_specs=pl.BlockSpec((rc, 1), lambda i: (i, 0)),
        out_shape=jax.ShapeDtypeStruct((n, 1), jnp.int32),
    )(q, cbT)


def _sc_gather_body(emb_hbm, idx_hbm, out_hbm, idx_v, rows_v, sem,
                    *, bpw, nw, chunk):
    wid = jax.lax.axis_index("s") * 2 + jax.lax.axis_index("c")

    @pl.when(wid < nw)
    def _():
        base = wid * bpw
        pltpu.sync_copy(idx_hbm.at[pl.ds(base, bpw)], idx_v)
        copies = []
        for k in range(bpw // chunk):
            copies.append(pltpu.async_copy(
                emb_hbm.at[idx_v.at[pl.ds(k * chunk, chunk)]],
                rows_v.at[pl.ds(k * chunk, chunk)], sem))
        for cp in copies:
            cp.wait()
        pltpu.sync_copy(rows_v, out_hbm.at[pl.ds(base, bpw)])


def _sc_gather(emb_pad, idx_flat):
    n = idx_flat.shape[0]
    nw = min(32, n // 8)
    bpw = n // nw
    chunk = min(128, bpw)
    mesh = plsc.VectorSubcoreMesh(core_axis_name="c", subcore_axis_name="s")
    f = pl.kernel(
        functools.partial(_sc_gather_body, bpw=bpw, nw=nw, chunk=chunk),
        mesh=mesh,
        out_type=jax.ShapeDtypeStruct((n, 128), jnp.float32),
        scratch_types=[
            pltpu.VMEM((bpw,), jnp.int32),
            pltpu.VMEM((bpw, 128), jnp.float32),
            pltpu.SemaphoreType.DMA,
        ],
    )
    return f(emb_pad, idx_flat)


def kernel(f_BCl, emb_W, phi_W, phi_b):
    f = f_BCl.transpose(0, 2, 1)
    norms = jnp.maximum(jnp.linalg.norm(emb_W, axis=1, keepdims=True), 1e-12)
    cbT = (emb_W / norms).T
    emb_pad = jnp.pad(emb_W, ((0, 0), (0, 128 - _C)))

    m_prev = phi_W[:, :, :, 0].transpose(0, 2, 1)
    m_cur = phi_W[:, :, :, 1].transpose(0, 2, 1)
    m_next = phi_W[:, :, :, 2].transpose(0, 2, 1)

    f_rest = f
    f_hat = jnp.zeros_like(f)
    loss = jnp.float32(0.0)
    zrow = jnp.zeros((_B, 1, _C), jnp.float32)
    for si, s in enumerate(_SEG):
        w = _L // s
        pooled = f_rest.reshape(_B, s, w, _C).mean(axis=2)
        q = pooled.reshape(_B * s, _C)
        q = q / jnp.maximum(jnp.linalg.norm(q, axis=1, keepdims=True), 1e-12)
        idx = _quantize_idx(q, cbT).reshape(_B * s)
        hseg = _sc_gather(emb_pad, idx)[:, :_C].reshape(_B, s, _C)
        h = jnp.broadcast_to(hseg[:, :, None, :], (_B, s, w, _C))
        h = h.reshape(_B, _L, _C)
        pi = _PI[si]
        hp = jnp.concatenate([zrow, h[:, :-1]], axis=1)
        hn = jnp.concatenate([h[:, 1:], zrow], axis=1)
        conv = (hp @ m_prev[pi] + h @ m_cur[pi] + hn @ m_next[pi]
                + phi_b[pi][None, None])
        mixed = 0.5 * h + 0.5 * conv
        f_hat = f_hat + mixed
        f_rest = f_rest - mixed
        loss = loss + jnp.mean(f_rest ** 2)
    loss = (1.0 + _BETA) * loss / len(_SEG)
    return f_hat.transpose(0, 2, 1), loss

# --- scband reference (transcript-rebuilt; emitter-appended) ---
"""Pipeline reference for scband-vector-quantizer-73718818668649 (READ-ONLY COPY).

The authoritative reference and input builder live on the scoring server;
editing this copy changes nothing except your own understanding.
"""

import jax, jax.numpy as jnp
import numpy as np

B = 16
C = 32
L = 1024
VOCAB = 8192
SEG = [1, 4, 16, 64, 256, 1024]
RATIO = 0.5
BETA = 0.25
NPHI = 4


def _phi_index(si):
    K = NPHI
    ticks = np.linspace(1.0 / 3.0 / K, 1.0 - 1.0 / 3.0 / K, K)
    at = si / (len(SEG) - 1)
    return int(np.argmin(np.abs(ticks - at)))


def _normalize(x, axis=-1, eps=1e-12):
    n = jnp.linalg.norm(x, axis=axis, keepdims=True)
    return x / jnp.maximum(n, eps)


def _conv1d(h, W, b):
    out = jax.lax.conv_general_dilated(h, W, window_strides=(1,), padding=((1, 1),), dimension_numbers=('NCH', 'OIH', 'NCH'))
    return out + b[None, :, None]


def setup_inputs(seed: int = 0) -> dict:
    key = jax.random.key(seed)
    k1, k2, k3, k4 = jax.random.split(key, 4)
    f_BCl = jax.random.normal(k1, (B, C, L), dtype=jnp.float32)
    emb_W = jax.random.normal(k2, (VOCAB, C), dtype=jnp.float32) * 0.02
    phi_W = jax.random.normal(k3, (NPHI, C, C, 3), dtype=jnp.float32) * np.float32(1.0 / np.sqrt(C * 3))
    phi_b = jnp.zeros((NPHI, C), dtype=jnp.float32)
    return {"f_BCl": f_BCl, "emb_W": emb_W, "phi_W": phi_W, "phi_b": phi_b}


def _forward(f, emb_W, phi_W, phi_b):
    B_, C_, L_ = f.shape
    f_no_grad = jax.lax.stop_gradient(f)
    f_rest = f_no_grad
    f_hat = jnp.zeros_like(f_rest)
    loss = jnp.float32(0.0)
    nS = len(SEG)
    # weight.data.T normalized along dim=0 -> each code row L2-normalized
    cb = _normalize(jax.lax.stop_gradient(emb_W), axis=1)
    vocab_hit = jnp.zeros((VOCAB,), dtype=jnp.float32)
    for si, s in enumerate(SEG):
        if si != nS - 1:
            # F.interpolate(mode='area', size=s) with s | L is exact average pooling
            pooled = f_rest.reshape(B_, C_, s, L_ // s).mean(axis=-1)
        else:
            pooled = f_rest
        rest_NC = pooled.transpose(0, 2, 1).reshape(-1, C_)
        rest_NC = _normalize(rest_NC, axis=-1)
        idx = jnp.argmax(rest_NC @ cb.T, axis=1)
        vocab_hit = vocab_hit + jnp.bincount(idx, length=VOCAB).astype(jnp.float32)
        h = jnp.take(emb_W, idx, axis=0).reshape(B_, s, C_).transpose(0, 2, 1)
        if si != nS - 1:
            # upsampling 'area' interpolation with s | L is nearest/repeat
            h = jnp.repeat(h, L_ // s, axis=2)
        pi = _phi_index(si)
        h = h * (1.0 - RATIO) + _conv1d(h, phi_W[pi], phi_b[pi]) * RATIO
        f_hat = f_hat + h
        f_rest = f_rest - h
        loss = loss + BETA * jnp.mean((jax.lax.stop_gradient(f_hat) - f) ** 2) + jnp.mean((f_hat - f_no_grad) ** 2)
    loss = loss / nS
    f_hat = jax.lax.stop_gradient(f_hat) - f_no_grad + f
    return f_hat, loss


def reference(f_BCl, emb_W, phi_W, phi_b):
    return _forward(f_BCl, emb_W, phi_W, phi_b)

if __name__ == "__main__":
    import jax
    _d = setup_inputs()
    print(jax.jit(kernel)(*tuple(_d.values())))

</pallas_src>

<mosaic_0001>
#map = affine_map<(d0, d1) -> (0, 0)>
#map1 = affine_map<(d0, d1) -> (0)>
module attributes {stable_mosaic.version = 14 : i64} {
  func.func @_sc_gather_body(%arg0: i32, %arg1: i32, %arg2: memref<8192x128xf32, #tpu.memory_space<hbm>>, %arg3: memref<16xi32, #tpu.memory_space<hbm>>, %arg4: memref<16x128xf32, #tpu.memory_space<hbm>>, %arg5: memref<8xi32, #tpu.memory_space<vmem>>, %arg6: memref<8x128xf32, #tpu.memory_space<vmem>>, %arg7: memref<!tpu.dma_semaphore, #tpu.memory_space<semaphore_mem>>) attributes {dimension_semantics = [#tpu.dimension_semantics<core_parallel>, #tpu.dimension_semantics<subcore_parallel>], iteration_bounds = array<i64: 2, 16>, scalar_prefetch = 0 : i64, scratch_operands = 3 : i64, tpu.core_type = #tpu.core_type<sc_vector_subcore>, window_params = [{transform_indices = #map}, {transform_indices = #map1}, {transform_indices = #map}]} {
    %mul3A = arith.constant 2 : i32
    %mul3A_0 = arith.muli %arg1, %mul3A : i32
    %add3A = arith.addi %mul3A_0, %arg0 : i32
    %lt3A = arith.constant 2 : i32
    %lt3A_1 = arith.cmpi slt, %add3A, %lt3A : i32
    %convert_element_type3A = arith.extui %lt3A_1 : i1 to i32
    %cond3A = arith.constant 0 : i32
    %cond3A_2 = arith.cmpi ne, %convert_element_type3A, %cond3A : i32
    scf.if %cond3A_2 {
      %mul3A_3 = arith.constant 8 : i32
      %mul3A_4 = arith.muli %add3A, %mul3A_3 : i32
      "tpu.region"() ({
        %run_scoped3A = tpu.sem_alloc : memref<!tpu.dma_semaphore, #tpu.memory_space<semaphore_mem>>
        %dma_start3A_19 = tpu.memref_slice %arg3[%mul3A_4] : memref<16xi32, #tpu.memory_space<hbm>> -> memref<8xi32, #tpu.memory_space<hbm>>
        %dma_start3A_20 = tpu.memref_slice %arg3[%mul3A_4] : memref<16xi32, #tpu.memory_space<hbm>> -> memref<8xi32, #tpu.memory_space<hbm>>
        tpu.enqueue_dma source(%dma_start3A_20 : memref<8xi32, #tpu.memory_space<hbm>>) target(%arg5 : memref<8xi32, #tpu.memory_space<vmem>>) target_semaphore(%run_scoped3A : memref<!tpu.dma_semaphore, #tpu.memory_space<semaphore_mem>>)
        %dma_wait3A_21 = tpu.memref_slice %arg3[%mul3A_4] : memref<16xi32, #tpu.memory_space<hbm>> -> memref<8xi32, #tpu.memory_space<hbm>>
        %dma_wait3A_22 = tpu.memref_slice %arg3[%mul3A_4] : memref<16xi32, #tpu.memory_space<hbm>> -> memref<8xi32, #tpu.memory_space<hbm>>
        tpu.wait_dma2 semaphore(%run_scoped3A : memref<!tpu.dma_semaphore, #tpu.memory_space<semaphore_mem>>) src(%dma_wait3A_22 : memref<8xi32, #tpu.memory_space<hbm>>) dst(%arg5 : memref<8xi32, #tpu.memory_space<vmem>>)
        tpu.yield
      }) : () -> ()
      %dma_start3A = arith.constant 0 : i32
      %dma_start3A_5 = arith.constant 0 : i32
      %dma_start3A_6 = tpu.memref_slice %arg6[%dma_start3A, %dma_start3A_5] : memref<8x128xf32, #tpu.memory_space<vmem>> -> memref<8x128xf32, #tpu.memory_space<vmem>>
      %dma_start3A_7 = arith.constant 0 : i32
      %dma_start3A_8 = tpu.memref_slice %arg5[%dma_start3A_7] : memref<8xi32, #tpu.memory_space<vmem>> -> memref<8xi32, #tpu.memory_space<vmem>>
      %dma_start3A_9 = arith.constant 0 : i32
      %dma_start3A_10 = arith.constant 0 : i32
      %dma_start3A_11 = tpu.memref_slice %arg2[%dma_start3A_9, %dma_start3A_10] : memref<8192x128xf32, #tpu.memory_space<hbm>> -> memref<8192x128xf32, #tpu.memory_space<hbm>>
      tpu.enqueue_indirect_dma source(%dma_start3A_11 : memref<8192x128xf32, #tpu.memory_space<hbm>>) target(%dma_start3A_6 : memref<8x128xf32, #tpu.memory_space<vmem>>) offsets(%dma_start3A_8 : memref<8xi32, #tpu.memory_space<vmem>>) semaphore(%arg7 : memref<!tpu.dma_semaphore, #tpu.memory_space<semaphore_mem>>)
      %dma_wait3A = arith.constant 0 : i32
      %dma_wait3A_12 = arith.constant 0 : i32
      %dma_wait3A_13 = tpu.memref_slice %arg6[%dma_wait3A, %dma_wait3A_12] : memref<8x128xf32, #tpu.memory_space<vmem>> -> memref<8x128xf32, #tpu.memory_space<vmem>>
      %dma_wait3A_14 = arith.constant 0 : i32
      %dma_wait3A_15 = tpu.memref_slice %arg5[%dma_wait3A_14] : memref<8xi32, #tpu.memory_space<vmem>> -> memref<8xi32, #tpu.memory_space<vmem>>
      %dma_wait3A_16 = arith.constant 0 : i32
      %dma_wait3A_17 = arith.constant 0 : i32
      %dma_wait3A_18 = tpu.memref_slice %arg2[%dma_wait3A_16, %dma_wait3A_17] : memref<8192x128xf32, #tpu.memory_space<hbm>> -> memref<8192x128xf32, #tpu.memory_space<hbm>>
      tpu.wait_indirect_dma semaphore(%arg7 : memref<!tpu.dma_semaphore, #tpu.memory_space<semaphore_mem>>) src(%dma_wait3A_18 : memref<8192x128xf32, #tpu.memory_space<hbm>>) dst(%dma_wait3A_13 : memref<8x128xf32, #tpu.memory_space<vmem>>)
      "tpu.region"() ({
        %run_scoped3A = tpu.sem_alloc : memref<!tpu.dma_semaphore, #tpu.memory_space<semaphore_mem>>
        %dma_start3A_19 = arith.constant 0 : i32
        %dma_start3A_20 = tpu.memref_slice %arg4[%mul3A_4, %dma_start3A_19] : memref<16x128xf32, #tpu.memory_space<hbm>> -> memref<8x128xf32, #tpu.memory_space<hbm>>
        %dma_start3A_21 = arith.constant 0 : i32
        %dma_start3A_22 = tpu.memref_slice %arg4[%mul3A_4, %dma_start3A_21] : memref<16x128xf32, #tpu.memory_space<hbm>> -> memref<8x128xf32, #tpu.memory_space<hbm>>
        tpu.enqueue_dma source(%arg6 : memref<8x128xf32, #tpu.memory_space<vmem>>) target(%dma_start3A_22 : memref<8x128xf32, #tpu.memory_space<hbm>>) target_semaphore(%run_scoped3A : memref<!tpu.dma_semaphore, #tpu.memory_space<semaphore_mem>>)
        %dma_wait3A_23 = arith.constant 0 : i32
        %dma_wait3A_24 = tpu.memref_slice %arg4[%mul3A_4, %dma_wait3A_23] : memref<16x128xf32, #tpu.memory_space<hbm>> -> memref<8x128xf32, #tpu.memory_space<hbm>>
        %dma_wait3A_25 = arith.constant 0 : i32
        %dma_wait3A_26 = tpu.memref_slice %arg4[%mul3A_4, %dma_wait3A_25] : memref<16x128xf32, #tpu.memory_space<hbm>> -> memref<8x128xf32, #tpu.memory_space<hbm>>
        tpu.wait_dma2 semaphore(%run_scoped3A : memref<!tpu.dma_semaphore, #tpu.memory_space<semaphore_mem>>) src(%arg6 : memref<8x128xf32, #tpu.memory_space<vmem>>) dst(%dma_wait3A_26 : memref<8x128xf32, #tpu.memory_space<hbm>>)
        tpu.yield
      }) : () -> ()
    } else {
    }
    return
  }
}

#map = affine_map<(d0, d1) -> (0, 0)>
#map1 = affine_map<(d0, d1) -> (0)>
module attributes {stable_mosaic.version = 14 : i64} {
  func.func @_sc_gather_body(%arg0: i32, %arg1: i32, %arg2: memref<8192x128xf32, #tpu.memory_space<hbm>>, %arg3: memref<256xi32, #tpu.memory_space<hbm>>, %arg4: memref<256x128xf32, #tpu.memory_space<hbm>>, %arg5: memref<8xi32, #tpu.memory_space<vmem>>, %arg6: memref<8x128xf32, #tpu.memory_space<vmem>>, %arg7: memref<!tpu.dma_semaphore, #tpu.memory_space<semaphore_mem>>) attributes {dimension_semantics = [#tpu.dimension_semantics<core_parallel>, #tpu.dimension_semantics<subcore_parallel>], iteration_bounds = array<i64: 2, 16>, scalar_prefetch = 0 : i64, scratch_operands = 3 : i64, tpu.core_type = #tpu.core_type<sc_vector_subcore>, window_params = [{transform_indices = #map}, {transform_indices = #map1}, {transform_indices = #map}]} {
    %mul3A = arith.constant 2 : i32
    %mul3A_0 = arith.muli %arg1, %mul3A : i32
    %add3A = arith.addi %mul3A_0, %arg0 : i32
    %lt3A = arith.constant 32 : i32
    %lt3A_1 = arith.cmpi slt, %add3A, %lt3A : i32
    %convert_element_type3A = arith.extui %lt3A_1 : i1 to i32
    %cond3A = arith.constant 0 : i32
    %cond3A_2 = arith.cmpi ne, %convert_element_type3A, %cond3A : i32
    scf.if %cond3A_2 {
      %mul3A_3 = arith.constant 8 : i32
      %mul3A_4 = arith.muli %add3A, %mul3A_3 : i32
      "tpu.region"() ({
        %run_scoped3A = tpu.sem_alloc : memref<!tpu.dma_semaphore, #tpu.memory_space<semaphore_mem>>
        %dma_start3A_19 = tpu.memref_slice %arg3[%mul3A_4] : memref<256xi32, #tpu.memory_space<hbm>> -> memref<8xi32, #tpu.memory_space<hbm>>
        %dma_start3A_20 = tpu.memref_slice %arg3[%mul3A_4] : memref<256xi32, #tpu.memory_space<hbm>> -> memref<8xi32, #tpu.memory_space<hbm>>
        tpu.enqueue_dma source(%dma_start3A_20 : memref<8xi32, #tpu.memory_space<hbm>>) target(%arg5 : memref<8xi32, #tpu.memory_space<vmem>>) target_semaphore(%run_scoped3A : memref<!tpu.dma_semaphore, #tpu.memory_space<semaphore_mem>>)
        %dma_wait3A_21 = tpu.memref_slice %arg3[%mul3A_4] : memref<256xi32, #tpu.memory_space<hbm>> -> memref<8xi32, #tpu.memory_space<hbm>>
        %dma_wait3A_22 = tpu.memref_slice %arg3[%mul3A_4] : memref<256xi32, #tpu.memory_space<hbm>> -> memref<8xi32, #tpu.memory_space<hbm>>
        tpu.wait_dma2 semaphore(%run_scoped3A : memref<!tpu.dma_semaphore, #tpu.memory_space<semaphore_mem>>) src(%dma_wait3A_22 : memref<8xi32, #tpu.memory_space<hbm>>) dst(%arg5 : memref<8xi32, #tpu.memory_space<vmem>>)
        tpu.yield
      }) : () -> ()
      %dma_start3A = arith.constant 0 : i32
      %dma_start3A_5 = arith.constant 0 : i32
      %dma_start3A_6 = tpu.memref_slice %arg6[%dma_start3A, %dma_start3A_5] : memref<8x128xf32, #tpu.memory_space<vmem>> -> memref<8x128xf32, #tpu.memory_space<vmem>>
      %dma_start3A_7 = arith.constant 0 : i32
      %dma_start3A_8 = tpu.memref_slice %arg5[%dma_start3A_7] : memref<8xi32, #tpu.memory_space<vmem>> -> memref<8xi32, #tpu.memory_space<vmem>>
      %dma_start3A_9 = arith.constant 0 : i32
      %dma_start3A_10 = arith.constant 0 : i32
      %dma_start3A_11 = tpu.memref_slice %arg2[%dma_start3A_9, %dma_start3A_10] : memref<8192x128xf32, #tpu.memory_space<hbm>> -> memref<8192x128xf32, #tpu.memory_space<hbm>>
      tpu.enqueue_indirect_dma source(%dma_start3A_11 : memref<8192x128xf32, #tpu.memory_space<hbm>>) target(%dma_start3A_6 : memref<8x128xf32, #tpu.memory_space<vmem>>) offsets(%dma_start3A_8 : memref<8xi32, #tpu.memory_space<vmem>>) semaphore(%arg7 : memref<!tpu.dma_semaphore, #tpu.memory_space<semaphore_mem>>)
      %dma_wait3A = arith.constant 0 : i32
      %dma_wait3A_12 = arith.constant 0 : i32
      %dma_wait3A_13 = tpu.memref_slice %arg6[%dma_wait3A, %dma_wait3A_12] : memref<8x128xf32, #tpu.memory_space<vmem>> -> memref<8x128xf32, #tpu.memory_space<vmem>>
      %dma_wait3A_14 = arith.constant 0 : i32
      %dma_wait3A_15 = tpu.memref_slice %arg5[%dma_wait3A_14] : memref<8xi32, #tpu.memory_space<vmem>> -> memref<8xi32, #tpu.memory_space<vmem>>
      %dma_wait3A_16 = arith.constant 0 : i32
      %dma_wait3A_17 = arith.constant 0 : i32
      %dma_wait3A_18 = tpu.memref_slice %arg2[%dma_wait3A_16, %dma_wait3A_17] : memref<8192x128xf32, #tpu.memory_space<hbm>> -> memref<8192x128xf32, #tpu.memory_space<hbm>>
      tpu.wait_indirect_dma semaphore(%arg7 : memref<!tpu.dma_semaphore, #tpu.memory_space<semaphore_mem>>) src(%dma_wait3A_18 : memref<8192x128xf32, #tpu.memory_space<hbm>>) dst(%dma_wait3A_13 : memref<8x128xf32, #tpu.memory_space<vmem>>)
      "tpu.region"() ({
        %run_scoped3A = tpu.sem_alloc : memref<!tpu.dma_semaphore, #tpu.memory_space<semaphore_mem>>
        %dma_start3A_19 = arith.constant 0 : i32
        %dma_start3A_20 = tpu.memref_slice %arg4[%mul3A_4, %dma_start3A_19] : memref<256x128xf32, #tpu.memory_space<hbm>> -> memref<8x128xf32, #tpu.memory_space<hbm>>
        %dma_start3A_21 = arith.constant 0 : i32
        %dma_start3A_22 = tpu.memref_slice %arg4[%mul3A_4, %dma_start3A_21] : memref<256x128xf32, #tpu.memory_space<hbm>> -> memref<8x128xf32, #tpu.memory_space<hbm>>
        tpu.enqueue_dma source(%arg6 : memref<8x128xf32, #tpu.memory_space<vmem>>) target(%dma_start3A_22 : memref<8x128xf32, #tpu.memory_space<hbm>>) target_semaphore(%run_scoped3A : memref<!tpu.dma_semaphore, #tpu.memory_space<semaphore_mem>>)
        %dma_wait3A_23 = arith.constant 0 : i32
        %dma_wait3A_24 = tpu.memref_slice %arg4[%mul3A_4, %dma_wait3A_23] : memref<256x128xf32, #tpu.memory_space<hbm>> -> memref<8x128xf32, #tpu.memory_space<hbm>>
        %dma_wait3A_25 = arith.constant 0 : i32
        %dma_wait3A_26 = tpu.memref_slice %arg4[%mul3A_4, %dma_wait3A_25] : memref<256x128xf32, #tpu.memory_space<hbm>> -> memref<8x128xf32, #tpu.memory_space<hbm>>
        tpu.wait_dma2 semaphore(%run_scoped3A : memref<!tpu.dma_semaphore, #tpu.memory_space<semaphore_mem>>) src(%arg6 : memref<8x128xf32, #tpu.memory_space<vmem>>) dst(%dma_wait3A_26 : memref<8x128xf32, #tpu.memory_space<hbm>>)
        tpu.yield
      }) : () -> ()
    } else {
    }
    return
  }
}

#map = affine_map<(d0, d1) -> (0, 0)>
#map1 = affine_map<(d0, d1) -> (0)>
module attributes {stable_mosaic.version = 14 : i64} {
  func.func @_sc_gather_body(%arg0: i32, %arg1: i32, %arg2: memref<8192x128xf32, #tpu.memory_space<hbm>>, %arg3: memref<1024xi32, #tpu.memory_space<hbm>>, %arg4: memref<1024x128xf32, #tpu.memory_space<hbm>>, %arg5: memref<32xi32, #tpu.memory_space<vmem>>, %arg6: memref<32x128xf32, #tpu.memory_space<vmem>>, %arg7: memref<!tpu.dma_semaphore, #tpu.memory_space<semaphore_mem>>) attributes {dimension_semantics = [#tpu.dimension_semantics<core_parallel>, #tpu.dimension_semantics<subcore_parallel>], iteration_bounds = array<i64: 2, 16>, scalar_prefetch = 0 : i64, scratch_operands = 3 : i64, tpu.core_type = #tpu.core_type<sc_vector_subcore>, window_params = [{transform_indices = #map}, {transform_indices = #map1}, {transform_indices = #map}]} {
    %mul3A = arith.constant 2 : i32
    %mul3A_0 = arith.muli %arg1, %mul3A : i32
    %add3A = arith.addi %mul3A_0, %arg0 : i32
    %lt3A = arith.constant 32 : i32
    %lt3A_1 = arith.cmpi slt, %add3A, %lt3A : i32
    %convert_element_type3A = arith.extui %lt3A_1 : i1 to i32
    %cond3A = arith.constant 0 : i32
    %cond3A_2 = arith.cmpi ne, %convert_element_type3A, %cond3A : i32
    scf.if %cond3A_2 {
      %mul3A_3 = arith.constant 32 : i32
      %mul3A_4 = arith.muli %add3A, %mul3A_3 : i32
      "tpu.region"() ({
        %run_scoped3A = tpu.sem_alloc : memref<!tpu.dma_semaphore, #tpu.memory_space<semaphore_mem>>
        %dma_start3A_19 = tpu.memref_slice %arg3[%mul3A_4] : memref<1024xi32, #tpu.memory_space<hbm>> -> memref<32xi32, #tpu.memory_space<hbm>>
        %dma_start3A_20 = tpu.memref_slice %arg3[%mul3A_4] : memref<1024xi32, #tpu.memory_space<hbm>> -> memref<32xi32, #tpu.memory_space<hbm>>
        tpu.enqueue_dma source(%dma_start3A_20 : memref<32xi32, #tpu.memory_space<hbm>>) target(%arg5 : memref<32xi32, #tpu.memory_space<vmem>>) target_semaphore(%run_scoped3A : memref<!tpu.dma_semaphore, #tpu.memory_space<semaphore_mem>>)
        %dma_wait3A_21 = tpu.memref_slice %arg3[%mul3A_4] : memref<1024xi32, #tpu.memory_space<hbm>> -> memref<32xi32, #tpu.memory_space<hbm>>
        %dma_wait3A_22 = tpu.memref_slice %arg3[%mul3A_4] : memref<1024xi32, #tpu.memory_space<hbm>> -> memref<32xi32, #tpu.memory_space<hbm>>
        tpu.wait_dma2 semaphore(%run_scoped3A : memref<!tpu.dma_semaphore, #tpu.memory_space<semaphore_mem>>) src(%dma_wait3A_22 : memref<32xi32, #tpu.memory_space<hbm>>) dst(%arg5 : memref<32xi32, #tpu.memory_space<vmem>>)
        tpu.yield
      }) : () -> ()
      %dma_start3A = arith.constant 0 : i32
      %dma_start3A_5 = arith.constant 0 : i32
      %dma_start3A_6 = tpu.memref_slice %arg6[%dma_start3A, %dma_start3A_5] : memref<32x128xf32, #tpu.memory_space<vmem>> -> memref<32x128xf32, #tpu.memory_space<vmem>>
      %dma_start3A_7 = arith.constant 0 : i32
      %dma_start3A_8 = tpu.memref_slice %arg5[%dma_start3A_7] : memref<32xi32, #tpu.memory_space<vmem>> -> memref<32xi32, #tpu.memory_space<vmem>>
      %dma_start3A_9 = arith.constant 0 : i32
      %dma_start3A_10 = arith.constant 0 : i32
      %dma_start3A_11 = tpu.memref_slice %arg2[%dma_start3A_9, %dma_start3A_10] : memref<8192x128xf32, #tpu.memory_space<hbm>> -> memref<8192x128xf32, #tpu.memory_space<hbm>>
      tpu.enqueue_indirect_dma source(%dma_start3A_11 : memref<8192x128xf32, #tpu.memory_space<hbm>>) target(%dma_start3A_6 : memref<32x128xf32, #tpu.memory_space<vmem>>) offsets(%dma_start3A_8 : memref<32xi32, #tpu.memory_space<vmem>>) semaphore(%arg7 : memref<!tpu.dma_semaphore, #tpu.memory_space<semaphore_mem>>)
      %dma_wait3A = arith.constant 0 : i32
      %dma_wait3A_12 = arith.constant 0 : i32
      %dma_wait3A_13 = tpu.memref_slice %arg6[%dma_wait3A, %dma_wait3A_12] : memref<32x128xf32, #tpu.memory_space<vmem>> -> memref<32x128xf32, #tpu.memory_space<vmem>>
      %dma_wait3A_14 = arith.constant 0 : i32
      %dma_wait3A_15 = tpu.memref_slice %arg5[%dma_wait3A_14] : memref<32xi32, #tpu.memory_space<vmem>> -> memref<32xi32, #tpu.memory_space<vmem>>
      %dma_wait3A_16 = arith.constant 0 : i32
      %dma_wait3A_17 = arith.constant 0 : i32
      %dma_wait3A_18 = tpu.memref_slice %arg2[%dma_wait3A_16, %dma_wait3A_17] : memref<8192x128xf32, #tpu.memory_space<hbm>> -> memref<8192x128xf32, #tpu.memory_space<hbm>>
      tpu.wait_indirect_dma semaphore(%arg7 : memref<!tpu.dma_semaphore, #tpu.memory_space<semaphore_mem>>) src(%dma_wait3A_18 : memref<8192x128xf32, #tpu.memory_space<hbm>>) dst(%dma_wait3A_13 : memref<32x128xf32, #tpu.memory_space<vmem>>)
      "tpu.region"() ({
        %run_scoped3A = tpu.sem_alloc : memref<!tpu.dma_semaphore, #tpu.memory_space<semaphore_mem>>
        %dma_start3A_19 = arith.constant 0 : i32
        %dma_start3A_20 = tpu.memref_slice %arg4[%mul3A_4, %dma_start3A_19] : memref<1024x128xf32, #tpu.memory_space<hbm>> -> memref<32x128xf32, #tpu.memory_space<hbm>>
        %dma_start3A_21 = arith.constant 0 : i32
        %dma_start3A_22 = tpu.memref_slice %arg4[%mul3A_4, %dma_start3A_21] : memref<1024x128xf32, #tpu.memory_space<hbm>> -> memref<32x128xf32, #tpu.memory_space<hbm>>
        tpu.enqueue_dma source(%arg6 : memref<32x128xf32, #tpu.memory_space<vmem>>) target(%dma_start3A_22 : memref<32x128xf32, #tpu.memory_space<hbm>>) target_semaphore(%run_scoped3A : memref<!tpu.dma_semaphore, #tpu.memory_space<semaphore_mem>>)
        %dma_wait3A_23 = arith.constant 0 : i32
        %dma_wait3A_24 = tpu.memref_slice %arg4[%mul3A_4, %dma_wait3A_23] : memref<1024x128xf32, #tpu.memory_space<hbm>> -> memref<32x128xf32, #tpu.memory_space<hbm>>
        %dma_wait3A_25 = arith.constant 0 : i32
        %dma_wait3A_26 = tpu.memref_slice %arg4[%mul3A_4, %dma_wait3A_25] : memref<1024x128xf32, #tpu.memory_space<hbm>> -> memref<32x128xf32, #tpu.memory_space<hbm>>
        tpu.wait_dma2 semaphore(%run_scoped3A : memref<!tpu.dma_semaphore, #tpu.memory_space<semaphore_mem>>) src(%arg6 : memref<32x128xf32, #tpu.memory_space<vmem>>) dst(%dma_wait3A_26 : memref<32x128xf32, #tpu.memory_space<hbm>>)
        tpu.yield
      }) : () -> ()
    } else {
    }
    return
  }
}

#map = affine_map<(d0, d1) -> (0, 0)>
#map1 = affine_map<(d0, d1) -> (0)>
module attributes {stable_mosaic.version = 14 : i64} {
  func.func @_sc_gather_body(%arg0: i32, %arg1: i32, %arg2: memref<8192x128xf32, #tpu.memory_space<hbm>>, %arg3: memref<64xi32, #tpu.memory_space<hbm>>, %arg4: memref<64x128xf32, #tpu.memory_space<hbm>>, %arg5: memref<8xi32, #tpu.memory_space<vmem>>, %arg6: memref<8x128xf32, #tpu.memory_space<vmem>>, %arg7: memref<!tpu.dma_semaphore, #tpu.memory_space<semaphore_mem>>) attributes {dimension_semantics = [#tpu.dimension_semantics<core_parallel>, #tpu.dimension_semantics<subcore_parallel>], iteration_bounds = array<i64: 2, 16>, scalar_prefetch = 0 : i64, scratch_operands = 3 : i64, tpu.core_type = #tpu.core_type<sc_vector_subcore>, window_params = [{transform_indices = #map}, {transform_indices = #map1}, {transform_indices = #map}]} {
    %mul3A = arith.constant 2 : i32
    %mul3A_0 = arith.muli %arg1, %mul3A : i32
    %add3A = arith.addi %mul3A_0, %arg0 : i32
    %lt3A = arith.constant 8 : i32
    %lt3A_1 = arith.cmpi slt, %add3A, %lt3A : i32
    %convert_element_type3A = arith.extui %lt3A_1 : i1 to i32
    %cond3A = arith.constant 0 : i32
    %cond3A_2 = arith.cmpi ne, %convert_element_type3A, %cond3A : i32
    scf.if %cond3A_2 {
      %mul3A_3 = arith.constant 8 : i32
      %mul3A_4 = arith.muli %add3A, %mul3A_3 : i32
      "tpu.region"() ({
        %run_scoped3A = tpu.sem_alloc : memref<!tpu.dma_semaphore, #tpu.memory_space<semaphore_mem>>
        %dma_start3A_19 = tpu.memref_slice %arg3[%mul3A_4] : memref<64xi32, #tpu.memory_space<hbm>> -> memref<8xi32, #tpu.memory_space<hbm>>
        %dma_start3A_20 = tpu.memref_slice %arg3[%mul3A_4] : memref<64xi32, #tpu.memory_space<hbm>> -> memref<8xi32, #tpu.memory_space<hbm>>
        tpu.enqueue_dma source(%dma_start3A_20 : memref<8xi32, #tpu.memory_space<hbm>>) target(%arg5 : memref<8xi32, #tpu.memory_space<vmem>>) target_semaphore(%run_scoped3A : memref<!tpu.dma_semaphore, #tpu.memory_space<semaphore_mem>>)
        %dma_wait3A_21 = tpu.memref_slice %arg3[%mul3A_4] : memref<64xi32, #tpu.memory_space<hbm>> -> memref<8xi32, #tpu.memory_space<hbm>>
        %dma_wait3A_22 = tpu.memref_slice %arg3[%mul3A_4] : memref<64xi32, #tpu.memory_space<hbm>> -> memref<8xi32, #tpu.memory_space<hbm>>
        tpu.wait_dma2 semaphore(%run_scoped3A : memref<!tpu.dma_semaphore, #tpu.memory_space<semaphore_mem>>) src(%dma_wait3A_22 : memref<8xi32, #tpu.memory_space<hbm>>) dst(%arg5 : memref<8xi32, #tpu.memory_space<vmem>>)
        tpu.yield
      }) : () -> ()
      %dma_start3A = arith.constant 0 : i32
      %dma_start3A_5 = arith.constant 0 : i32
      %dma_start3A_6 = tpu.memref_slice %arg6[%dma_start3A, %dma_start3A_5] : memref<8x128xf32, #tpu.memory_space<vmem>> -> memref<8x128xf32, #tpu.memory_space<vmem>>
      %dma_start3A_7 = arith.constant 0 : i32
      %dma_start3A_8 = tpu.memref_slice %arg5[%dma_start3A_7] : memref<8xi32, #tpu.memory_space<vmem>> -> memref<8xi32, #tpu.memory_space<vmem>>
      %dma_start3A_9 = arith.constant 0 : i32
      %dma_start3A_10 = arith.constant 0 : i32
      %dma_start3A_11 = tpu.memref_slice %arg2[%dma_start3A_9, %dma_start3A_10] : memref<8192x128xf32, #tpu.memory_space<hbm>> -> memref<8192x128xf32, #tpu.memory_space<hbm>>
      tpu.enqueue_indirect_dma source(%dma_start3A_11 : memref<8192x128xf32, #tpu.memory_space<hbm>>) target(%dma_start3A_6 : memref<8x128xf32, #tpu.memory_space<vmem>>) offsets(%dma_start3A_8 : memref<8xi32, #tpu.memory_space<vmem>>) semaphore(%arg7 : memref<!tpu.dma_semaphore, #tpu.memory_space<semaphore_mem>>)
      %dma_wait3A = arith.constant 0 : i32
      %dma_wait3A_12 = arith.constant 0 : i32
      %dma_wait3A_13 = tpu.memref_slice %arg6[%dma_wait3A, %dma_wait3A_12] : memref<8x128xf32, #tpu.memory_space<vmem>> -> memref<8x128xf32, #tpu.memory_space<vmem>>
      %dma_wait3A_14 = arith.constant 0 : i32
      %dma_wait3A_15 = tpu.memref_slice %arg5[%dma_wait3A_14] : memref<8xi32, #tpu.memory_space<vmem>> -> memref<8xi32, #tpu.memory_space<vmem>>
      %dma_wait3A_16 = arith.constant 0 : i32
      %dma_wait3A_17 = arith.constant 0 : i32
      %dma_wait3A_18 = tpu.memref_slice %arg2[%dma_wait3A_16, %dma_wait3A_17] : memref<8192x128xf32, #tpu.memory_space<hbm>> -> memref<8192x128xf32, #tpu.memory_space<hbm>>
      tpu.wait_indirect_dma semaphore(%arg7 : memref<!tpu.dma_semaphore, #tpu.memory_space<semaphore_mem>>) src(%dma_wait3A_18 : memref<8192x128xf32, #tpu.memory_space<hbm>>) dst(%dma_wait3A_13 : memref<8x128xf32, #tpu.memory_space<vmem>>)
      "tpu.region"() ({
        %run_scoped3A = tpu.sem_alloc : memref<!tpu.dma_semaphore, #tpu.memory_space<semaphore_mem>>
        %dma_start3A_19 = arith.constant 0 : i32
        %dma_start3A_20 = tpu.memref_slice %arg4[%mul3A_4, %dma_start3A_19] : memref<64x128xf32, #tpu.memory_space<hbm>> -> memref<8x128xf32, #tpu.memory_space<hbm>>
        %dma_start3A_21 = arith.constant 0 : i32
        %dma_start3A_22 = tpu.memref_slice %arg4[%mul3A_4, %dma_start3A_21] : memref<64x128xf32, #tpu.memory_space<hbm>> -> memref<8x128xf32, #tpu.memory_space<hbm>>
        tpu.enqueue_dma source(%arg6 : memref<8x128xf32, #tpu.memory_space<vmem>>) target(%dma_start3A_22 : memref<8x128xf32, #tpu.memory_space<hbm>>) target_semaphore(%run_scoped3A : memref<!tpu.dma_semaphore, #tpu.memory_space<semaphore_mem>>)
        %dma_wait3A_23 = arith.constant 0 : i32
        %dma_wait3A_24 = tpu.memref_slice %arg4[%mul3A_4, %dma_wait3A_23] : memref<64x128xf32, #tpu.memory_space<hbm>> -> memref<8x128xf32, #tpu.memory_space<hbm>>
        %dma_wait3A_25 = arith.constant 0 : i32
        %dma_wait3A_26 = tpu.memref_slice %arg4[%mul3A_4, %dma_wait3A_25] : memref<64x128xf32, #tpu.memory_space<hbm>> -> memref<8x128xf32, #tpu.memory_space<hbm>>
        tpu.wait_dma2 semaphore(%run_scoped3A : memref<!tpu.dma_semaphore, #tpu.memory_space<semaphore_mem>>) src(%arg6 : memref<8x128xf32, #tpu.memory_space<vmem>>) dst(%dma_wait3A_26 : memref<8x128xf32, #tpu.memory_space<hbm>>)
        tpu.yield
      }) : () -> ()
    } else {
    }
    return
  }
}

#map = affine_map<(d0, d1) -> (0, 0)>
#map1 = affine_map<(d0, d1) -> (0)>
module attributes {stable_mosaic.version = 14 : i64} {
  func.func @_sc_gather_body(%arg0: i32, %arg1: i32, %arg2: memref<8192x128xf32, #tpu.memory_space<hbm>>, %arg3: memref<4096xi32, #tpu.memory_space<hbm>>, %arg4: memref<4096x128xf32, #tpu.memory_space<hbm>>, %arg5: memref<128xi32, #tpu.memory_space<vmem>>, %arg6: memref<128x128xf32, #tpu.memory_space<vmem>>, %arg7: memref<!tpu.dma_semaphore, #tpu.memory_space<semaphore_mem>>) attributes {dimension_semantics = [#tpu.dimension_semantics<core_parallel>, #tpu.dimension_semantics<subcore_parallel>], iteration_bounds = array<i64: 2, 16>, scalar_prefetch = 0 : i64, scratch_operands = 3 : i64, tpu.core_type = #tpu.core_type<sc_vector_subcore>, window_params = [{transform_indices = #map}, {transform_indices = #map1}, {transform_indices = #map}]} {
    %mul3A = arith.constant 2 : i32
    %mul3A_0 = arith.muli %arg1, %mul3A : i32
    %add3A = arith.addi %mul3A_0, %arg0 : i32
    %lt3A = arith.constant 32 : i32
    %lt3A_1 = arith.cmpi slt, %add3A, %lt3A : i32
    %convert_element_type3A = arith.extui %lt3A_1 : i1 to i32
    %cond3A = arith.constant 0 : i32
    %cond3A_2 = arith.cmpi ne, %convert_element_type3A, %cond3A : i32
    scf.if %cond3A_2 {
      %mul3A_3 = arith.constant 128 : i32
      %mul3A_4 = arith.muli %add3A, %mul3A_3 : i32
      "tpu.region"() ({
        %run_scoped3A = tpu.sem_alloc : memref<!tpu.dma_semaphore, #tpu.memory_space<semaphore_mem>>
        %dma_start3A_19 = tpu.memref_slice %arg3[%mul3A_4] : memref<4096xi32, #tpu.memory_space<hbm>> -> memref<128xi32, #tpu.memory_space<hbm>>
        %dma_start3A_20 = tpu.memref_slice %arg3[%mul3A_4] : memref<4096xi32, #tpu.memory_space<hbm>> -> memref<128xi32, #tpu.memory_space<hbm>>
        tpu.enqueue_dma source(%dma_start3A_20 : memref<128xi32, #tpu.memory_space<hbm>>) target(%arg5 : memref<128xi32, #tpu.memory_space<vmem>>) target_semaphore(%run_scoped3A : memref<!tpu.dma_semaphore, #tpu.memory_space<semaphore_mem>>)
        %dma_wait3A_21 = tpu.memref_slice %arg3[%mul3A_4] : memref<4096xi32, #tpu.memory_space<hbm>> -> memref<128xi32, #tpu.memory_space<hbm>>
        %dma_wait3A_22 = tpu.memref_slice %arg3[%mul3A_4] : memref<4096xi32, #tpu.memory_space<hbm>> -> memref<128xi32, #tpu.memory_space<hbm>>
        tpu.wait_dma2 semaphore(%run_scoped3A : memref<!tpu.dma_semaphore, #tpu.memory_space<semaphore_mem>>) src(%dma_wait3A_22 : memref<128xi32, #tpu.memory_space<hbm>>) dst(%arg5 : memref<128xi32, #tpu.memory_space<vmem>>)
        tpu.yield
      }) : () -> ()
      %dma_start3A = arith.constant 0 : i32
      %dma_start3A_5 = arith.constant 0 : i32
      %dma_start3A_6 = tpu.memref_slice %arg6[%dma_start3A, %dma_start3A_5] : memref<128x128xf32, #tpu.memory_space<vmem>> -> memref<128x128xf32, #tpu.memory_space<vmem>>
      %dma_start3A_7 = arith.constant 0 : i32
      %dma_start3A_8 = tpu.memref_slice %arg5[%dma_start3A_7] : memref<128xi32, #tpu.memory_space<vmem>> -> memref<128xi32, #tpu.memory_space<vmem>>
      %dma_start3A_9 = arith.constant 0 : i32
      %dma_start3A_10 = arith.constant 0 : i32
      %dma_start3A_11 = tpu.memref_slice %arg2[%dma_start3A_9, %dma_start3A_10] : memref<8192x128xf32, #tpu.memory_space<hbm>> -> memref<8192x128xf32, #tpu.memory_space<hbm>>
      tpu.enqueue_indirect_dma source(%dma_start3A_11 : memref<8192x128xf32, #tpu.memory_space<hbm>>) target(%dma_start3A_6 : memref<128x128xf32, #tpu.memory_space<vmem>>) offsets(%dma_start3A_8 : memref<128xi32, #tpu.memory_space<vmem>>) semaphore(%arg7 : memref<!tpu.dma_semaphore, #tpu.memory_space<semaphore_mem>>)
      %dma_wait3A = arith.constant 0 : i32
      %dma_wait3A_12 = arith.constant 0 : i32
      %dma_wait3A_13 = tpu.memref_slice %arg6[%dma_wait3A, %dma_wait3A_12] : memref<128x128xf32, #tpu.memory_space<vmem>> -> memref<128x128xf32, #tpu.memory_space<vmem>>
      %dma_wait3A_14 = arith.constant 0 : i32
      %dma_wait3A_15 = tpu.memref_slice %arg5[%dma_wait3A_14] : memref<128xi32, #tpu.memory_space<vmem>> -> memref<128xi32, #tpu.memory_space<vmem>>
      %dma_wait3A_16 = arith.constant 0 : i32
      %dma_wait3A_17 = arith.constant 0 : i32
      %dma_wait3A_18 = tpu.memref_slice %arg2[%dma_wait3A_16, %dma_wait3A_17] : memref<8192x128xf32, #tpu.memory_space<hbm>> -> memref<8192x128xf32, #tpu.memory_space<hbm>>
      tpu.wait_indirect_dma semaphore(%arg7 : memref<!tpu.dma_semaphore, #tpu.memory_space<semaphore_mem>>) src(%dma_wait3A_18 : memref<8192x128xf32, #tpu.memory_space<hbm>>) dst(%dma_wait3A_13 : memref<128x128xf32, #tpu.memory_space<vmem>>)
      "tpu.region"() ({
        %run_scoped3A = tpu.sem_alloc : memref<!tpu.dma_semaphore, #tpu.memory_space<semaphore_mem>>
        %dma_start3A_19 = arith.constant 0 : i32
        %dma_start3A_20 = tpu.memref_slice %arg4[%mul3A_4, %dma_start3A_19] : memref<4096x128xf32, #tpu.memory_space<hbm>> -> memref<128x128xf32, #tpu.memory_space<hbm>>
        %dma_start3A_21 = arith.constant 0 : i32
        %dma_start3A_22 = tpu.memref_slice %arg4[%mul3A_4, %dma_start3A_21] : memref<4096x128xf32, #tpu.memory_space<hbm>> -> memref<128x128xf32, #tpu.memory_space<hbm>>
        tpu.enqueue_dma source(%arg6 : memref<128x128xf32, #tpu.memory_space<vmem>>) target(%dma_start3A_22 : memref<128x128xf32, #tpu.memory_space<hbm>>) target_semaphore(%run_scoped3A : memref<!tpu.dma_semaphore, #tpu.memory_space<semaphore_mem>>)
        %dma_wait3A_23 = arith.constant 0 : i32
        %dma_wait3A_24 = tpu.memref_slice %arg4[%mul3A_4, %dma_wait3A_23] : memref<4096x128xf32, #tpu.memory_space<hbm>> -> memref<128x128xf32, #tpu.memory_space<hbm>>
        %dma_wait3A_25 = arith.constant 0 : i32
        %dma_wait3A_26 = tpu.memref_slice %arg4[%mul3A_4, %dma_wait3A_25] : memref<4096x128xf32, #tpu.memory_space<hbm>> -> memref<128x128xf32, #tpu.memory_space<hbm>>
        tpu.wait_dma2 semaphore(%run_scoped3A : memref<!tpu.dma_semaphore, #tpu.memory_space<semaphore_mem>>) src(%arg6 : memref<128x128xf32, #tpu.memory_space<vmem>>) dst(%dma_wait3A_26 : memref<128x128xf32, #tpu.memory_space<hbm>>)
        tpu.yield
      }) : () -> ()
    } else {
    }
    return
  }
}

#map = affine_map<(d0, d1) -> (0, 0)>
#map1 = affine_map<(d0, d1) -> (0)>
module attributes {stable_mosaic.version = 14 : i64} {
  func.func @_sc_gather_body(%arg0: i32, %arg1: i32, %arg2: memref<8192x128xf32, #tpu.memory_space<hbm>>, %arg3: memref<16384xi32, #tpu.memory_space<hbm>>, %arg4: memref<16384x128xf32, #tpu.memory_space<hbm>>, %arg5: memref<512xi32, #tpu.memory_space<vmem>>, %arg6: memref<512x128xf32, #tpu.memory_space<vmem>>, %arg7: memref<!tpu.dma_semaphore, #tpu.memory_space<semaphore_mem>>) attributes {dimension_semantics = [#tpu.dimension_semantics<core_parallel>, #tpu.dimension_semantics<subcore_parallel>], iteration_bounds = array<i64: 2, 16>, scalar_prefetch = 0 : i64, scratch_operands = 3 : i64, tpu.core_type = #tpu.core_type<sc_vector_subcore>, window_params = [{transform_indices = #map}, {transform_indices = #map1}, {transform_indices = #map}]} {
    %mul3A = arith.constant 2 : i32
    %mul3A_0 = arith.muli %arg1, %mul3A : i32
    %add3A = arith.addi %mul3A_0, %arg0 : i32
    %lt3A = arith.constant 32 : i32
    %lt3A_1 = arith.cmpi slt, %add3A, %lt3A : i32
    %convert_element_type3A = arith.extui %lt3A_1 : i1 to i32
    %cond3A = arith.constant 0 : i32
    %cond3A_2 = arith.cmpi ne, %convert_element_type3A, %cond3A : i32
    scf.if %cond3A_2 {
      %mul3A_3 = arith.constant 512 : i32
      %mul3A_4 = arith.muli %add3A, %mul3A_3 : i32
      "tpu.region"() ({
        %run_scoped3A = tpu.sem_alloc : memref<!tpu.dma_semaphore, #tpu.memory_space<semaphore_mem>>
        %dma_start3A_67 = tpu.memref_slice %arg3[%mul3A_4] : memref<16384xi32, #tpu.memory_space<hbm>> -> memref<512xi32, #tpu.memory_space<hbm>>
        %dma_start3A_68 = tpu.memref_slice %arg3[%mul3A_4] : memref<16384xi32, #tpu.memory_space<hbm>> -> memref<512xi32, #tpu.memory_space<hbm>>
        tpu.enqueue_dma source(%dma_start3A_68 : memref<512xi32, #tpu.memory_space<hbm>>) target(%arg5 : memref<512xi32, #tpu.memory_space<vmem>>) target_semaphore(%run_scoped3A : memref<!tpu.dma_semaphore, #tpu.memory_space<semaphore_mem>>)
        %dma_wait3A_69 = tpu.memref_slice %arg3[%mul3A_4] : memref<16384xi32, #tpu.memory_space<hbm>> -> memref<512xi32, #tpu.memory_space<hbm>>
        %dma_wait3A_70 = tpu.memref_slice %arg3[%mul3A_4] : memref<16384xi32, #tpu.memory_space<hbm>> -> memref<512xi32, #tpu.memory_space<hbm>>
        tpu.wait_dma2 semaphore(%run_scoped3A : memref<!tpu.dma_semaphore, #tpu.memory_space<semaphore_mem>>) src(%dma_wait3A_70 : memref<512xi32, #tpu.memory_space<hbm>>) dst(%arg5 : memref<512xi32, #tpu.memory_space<vmem>>)
        tpu.yield
      }) : () -> ()
      %dma_start3A = arith.constant 0 : i32
      %dma_start3A_5 = arith.constant 0 : i32
      %dma_start3A_6 = tpu.memref_slice %arg6[%dma_start3A, %dma_start3A_5] : memref<512x128xf32, #tpu.memory_space<vmem>> -> memref<128x128xf32, #tpu.memory_space<vmem>>
      %dma_start3A_7 = arith.constant 0 : i32
      %dma_start3A_8 = tpu.memref_slice %arg5[%dma_start3A_7] : memref<512xi32, #tpu.memory_space<vmem>> -> memref<128xi32, #tpu.memory_space<vmem>>
      %dma_start3A_9 = arith.constant 0 : i32
      %dma_start3A_10 = arith.constant 0 : i32
      %dma_start3A_11 = tpu.memref_slice %arg2[%dma_start3A_9, %dma_start3A_10] : memref<8192x128xf32, #tpu.memory_space<hbm>> -> memref<8192x128xf32, #tpu.memory_space<hbm>>
      tpu.enqueue_indirect_dma source(%dma_start3A_11 : memref<8192x128xf32, #tpu.memory_space<hbm>>) target(%dma_start3A_6 : memref<128x128xf32, #tpu.memory_space<vmem>>) offsets(%dma_start3A_8 : memref<128xi32, #tpu.memory_space<vmem>>) semaphore(%arg7 : memref<!tpu.dma_semaphore, #tpu.memory_space<semaphore_mem>>)
      %dma_start3A_12 = arith.constant 128 : i32
      %dma_start3A_13 = arith.constant 0 : i32
      %dma_start3A_14 = tpu.memref_slice %arg6[%dma_start3A_12, %dma_start3A_13] : memref<512x128xf32, #tpu.memory_space<vmem>> -> memref<128x128xf32, #tpu.memory_space<vmem>>
      %dma_start3A_15 = arith.constant 128 : i32
      %dma_start3A_16 = tpu.memref_slice %arg5[%dma_start3A_15] : memref<512xi32, #tpu.memory_space<vmem>> -> memref<128xi32, #tpu.memory_space<vmem>>
      %dma_start3A_17 = arith.constant 0 : i32
      %dma_start3A_18 = arith.constant 0 : i32
      %dma_start3A_19 = tpu.memref_slice %arg2[%dma_start3A_17, %dma_start3A_18] : memref<8192x128xf32, #tpu.memory_space<hbm>> -> memref<8192x128xf32, #tpu.memory_space<hbm>>
      tpu.enqueue_indirect_dma source(%dma_start3A_19 : memref<8192x128xf32, #tpu.memory_space<hbm>>) target(%dma_start3A_14 : memref<128x128xf32, #tpu.memory_space<vmem>>) offsets(%dma_start3A_16 : memref<128xi32, #tpu.memory_space<vmem>>) semaphore(%arg7 : memref<!tpu.dma_semaphore, #tpu.memory_space<semaphore_mem>>)
      %dma_start3A_20 = arith.constant 256 : i32
      %dma_start3A_21 = arith.constant 0 : i32
      %dma_start3A_22 = tpu.memref_slice %arg6[%dma_start3A_20, %dma_start3A_21] : memref<512x128xf32, #tpu.memory_space<vmem>> -> memref<128x128xf32, #tpu.memory_space<vmem>>
      %dma_start3A_23 = arith.constant 256 : i32
      %dma_start3A_24 = tpu.memref_slice %arg5[%dma_start3A_23] : memref<512xi32, #tpu.memory_space<vmem>> -> memref<128xi32, #tpu.memory_space<vmem>>
      %dma_start3A_25 = arith.constant 0 : i32
      %dma_start3A_26 = arith.constant 0 : i32
      %dma_start3A_27 = tpu.memref_slice %arg2[%dma_start3A_25, %dma_start3A_26] : memref<8192x128xf32, #tpu.memory_space<hbm>> -> memref<8192x128xf32, #tpu.memory_space<hbm>>
      tpu.enqueue_indirect_dma source(%dma_start3A_27 : memref<8192x128xf32, #tpu.memory_space<hbm>>) target(%dma_start3A_22 : memref<128x128xf32, #tpu.memory_space<vmem>>) offsets(%dma_start3A_24 : memref<128xi32, #tpu.memory_space<vmem>>) semaphore(%arg7 : memref<!tpu.dma_semaphore, #tpu.memory_space<semaphore_mem>>)
      %dma_start3A_28 = arith.constant 384 : i32
      %dma_start3A_29 = arith.constant 0 : i32
      %dma_start3A_30 = tpu.memref_slice %arg6[%dma_start3A_28, %dma_start3A_29] : memref<512x128xf32, #tpu.memory_space<vmem>> -> memref<128x128xf32, #tpu.memory_space<vmem>>
      %dma_start3A_31 = arith.constant 384 : i32
      %dma_start3A_32 = tpu.memref_slice %arg5[%dma_start3A_31] : memref<512xi32, #tpu.memory_space<vmem>> -> memref<128xi32, #tpu.memory_space<vmem>>
      %dma_start3A_33 = arith.constant 0 : i32
      %dma_start3A_34 = arith.constant 0 : i32
      %dma_start3A_35 = tpu.memref_slice %arg2[%dma_start3A_33, %dma_start3A_34] : memref<8192x128xf32, #tpu.memory_space<hbm>> -> memref<8192x128xf32, #tpu.memory_space<hbm>>
      tpu.enqueue_indirect_dma source(%dma_start3A_35 : memref<8192x128xf32, #tpu.memory_space<hbm>>) target(%dma_start3A_30 : memref<128x128xf32, #tpu.memory_space<vmem>>) offsets(%dma_start3A_32 : memref<128xi32, #tpu.memory_space<vmem>>) semaphore(%arg7 : memref<!tpu.dma_semaphore, #tpu.memory_space<semaphore_mem>>)
      %dma_wait3A = arith.constant 0 : i32
      %dma_wait3A_36 = arith.constant 0 : i32
      %dma_wait3A_37 = tpu.memref_slice %arg6[%dma_wait3A, %dma_wait3A_36] : memref<512x128xf32, #tpu.memory_space<vmem>> -> memref<128x128xf32, #tpu.memory_space<vmem>>
      %dma_wait3A_38 = arith.constant 0 : i32
      %dma_wait3A_39 = tpu.memref_slice %arg5[%dma_wait3A_38] : memref<512xi32, #tpu.memory_space<vmem>> -> memref<128xi32, #tpu.memory_space<vmem>>
      %dma_wait3A_40 = arith.constant 0 : i32
      %dma_wait3A_41 = arith.constant 0 : i32
      %dma_wait3A_42 = tpu.memref_slice %arg2[%dma_wait3A_40, %dma_wait3A_41] : memref<8192x128xf32, #tpu.memory_space<hbm>> -> memref<8192x128xf32, #tpu.memory_space<hbm>>
      tpu.wait_indirect_dma semaphore(%arg7 : memref<!tpu.dma_semaphore, #tpu.memory_space<semaphore_mem>>) src(%dma_wait3A_42 : memref<8192x128xf32, #tpu.memory_space<hbm>>) dst(%dma_wait3A_37 : memref<128x128xf32, #tpu.memory_space<vmem>>)
      %dma_wait3A_43 = arith.constant 128 : i32
      %dma_wait3A_44 = arith.constant 0 : i32
      %dma_wait3A_45 = tpu.memref_slice %arg6[%dma_wait3A_43, %dma_wait3A_44] : memref<512x128xf32, #tpu.memory_space<vmem>> -> memref<128x128xf32, #tpu.memory_space<vmem>>
      %dma_wait3A_46 = arith.constant 128 : i32
      %dma_wait3A_47 = tpu.memref_slice %arg5[%dma_wait3A_46] : memref<512xi32, #tpu.memory_space<vmem>> -> memref<128xi32, #tpu.memory_space<vmem>>
      %dma_wait3A_48 = arith.constant 0 : i32
      %dma_wait3A_49 = arith.constant 0 : i32
      %dma_wait3A_50 = tpu.memref_slice %arg2[%dma_wait3A_48, %dma_wait3A_49] : memref<8192x128xf32, #tpu.memory_space<hbm>> -> memref<8192x128xf32, #tpu.memory_space<hbm>>
      tpu.wait_indirect_dma semaphore(%arg7 : memref<!tpu.dma_semaphore, #tpu.memory_space<semaphore_mem>>) src(%dma_wait3A_50 : memref<8192x128xf32, #tpu.memory_space<hbm>>) dst(%dma_wait3A_45 : memref<128x128xf32, #tpu.memory_space<vmem>>)
      %dma_wait3A_51 = arith.constant 256 : i32
      %dma_wait3A_52 = arith.constant 0 : i32
      %dma_wait3A_53 = tpu.memref_slice %arg6[%dma_wait3A_51, %dma_wait3A_52] : memref<512x128xf32, #tpu.memory_space<vmem>> -> memref<128x128xf32, #tpu.memory_space<vmem>>
      %dma_wait3A_54 = arith.constant 256 : i32
      %dma_wait3A_55 = tpu.memref_slice %arg5[%dma_wait3A_54] : memref<512xi32, #tpu.memory_space<vmem>> -> memref<128xi32, #tpu.memory_space<vmem>>
      %dma_wait3A_56 = arith.constant 0 : i32
      %dma_wait3A_57 = arith.constant 0 : i32
      %dma_wait3A_58 = tpu.memref_slice %arg2[%dma_wait3A_56, %dma_wait3A_57] : memref<8192x128xf32, #tpu.memory_space<hbm>> -> memref<8192x128xf32, #tpu.memory_space<hbm>>
      tpu.wait_indirect_dma semaphore(%arg7 : memref<!tpu.dma_semaphore, #tpu.memory_space<semaphore_mem>>) src(%dma_wait3A_58 : memref<8192x128xf32, #tpu.memory_space<hbm>>) dst(%dma_wait3A_53 : memref<128x128xf32, #tpu.memory_space<vmem>>)
      %dma_wait3A_59 = arith.constant 384 : i32
      %dma_wait3A_60 = arith.constant 0 : i32
      %dma_wait3A_61 = tpu.memref_slice %arg6[%dma_wait3A_59, %dma_wait3A_60] : memref<512x128xf32, #tpu.memory_space<vmem>> -> memref<128x128xf32, #tpu.memory_space<vmem>>
      %dma_wait3A_62 = arith.constant 384 : i32
      %dma_wait3A_63 = tpu.memref_slice %arg5[%dma_wait3A_62] : memref<512xi32, #tpu.memory_space<vmem>> -> memref<128xi32, #tpu.memory_space<vmem>>
      %dma_wait3A_64 = arith.constant 0 : i32
      %dma_wait3A_65 = arith.constant 0 : i32
      %dma_wait3A_66 = tpu.memref_slice %arg2[%dma_wait3A_64, %dma_wait3A_65] : memref<8192x128xf32, #tpu.memory_space<hbm>> -> memref<8192x128xf32, #tpu.memory_space<hbm>>
      tpu.wait_indirect_dma semaphore(%arg7 : memref<!tpu.dma_semaphore, #tpu.memory_space<semaphore_mem>>) src(%dma_wait3A_66 : memref<8192x128xf32, #tpu.memory_space<hbm>>) dst(%dma_wait3A_61 : memref<128x128xf32, #tpu.memory_space<vmem>>)
      "tpu.region"() ({
        %run_scoped3A = tpu.sem_alloc : memref<!tpu.dma_semaphore, #tpu.memory_space<semaphore_mem>>
        %dma_start3A_67 = arith.constant 0 : i32
        %dma_start3A_68 = tpu.memref_slice %arg4[%mul3A_4, %dma_start3A_67] : memref<16384x128xf32, #tpu.memory_space<hbm>> -> memref<512x128xf32, #tpu.memory_space<hbm>>
        %dma_start3A_69 = arith.constant 0 : i32
        %dma_start3A_70 = tpu.memref_slice %arg4[%mul3A_4, %dma_start3A_69] : memref<16384x128xf32, #tpu.memory_space<hbm>> -> memref<512x128xf32, #tpu.memory_space<hbm>>
        tpu.enqueue_dma source(%arg6 : memref<512x128xf32, #tpu.memory_space<vmem>>) target(%dma_start3A_70 : memref<512x128xf32, #tpu.memory_space<hbm>>) target_semaphore(%run_scoped3A : memref<!tpu.dma_semaphore, #tpu.memory_space<semaphore_mem>>)
        %dma_wait3A_71 = arith.constant 0 : i32
        %dma_wait3A_72 = tpu.memref_slice %arg4[%mul3A_4, %dma_wait3A_71] : memref<16384x128xf32, #tpu.memory_space<hbm>> -> memref<512x128xf32, #tpu.memory_space<hbm>>
        %dma_wait3A_73 = arith.constant 0 : i32
        %dma_wait3A_74 = tpu.memref_slice %arg4[%mul3A_4, %dma_wait3A_73] : memref<16384x128xf32, #tpu.memory_space<hbm>> -> memref<512x128xf32, #tpu.memory_space<hbm>>
        tpu.wait_dma2 semaphore(%run_scoped3A : memref<!tpu.dma_semaphore, #tpu.memory_space<semaphore_mem>>) src(%arg6 : memref<512x128xf32, #tpu.memory_space<vmem>>) dst(%dma_wait3A_74 : memref<512x128xf32, #tpu.memory_space<hbm>>)
        tpu.yield
      }) : () -> ()
    } else {
    }
    return
  }
}

module attributes {stable_mosaic.version = 14 : i64} {
  func.func @_quant_body(%arg0: i32, %arg1: memref<16x32xf32, #tpu.memory_space<vmem>>, %arg2: memref<32x8192xf32, #tpu.memory_space<vmem>>, %arg3: memref<16x1xi32, #tpu.memory_space<vmem>>) attributes {dimension_semantics = [#tpu.dimension_semantics<arbitrary>], iteration_bounds = array<i64: 1>, scalar_prefetch = 0 : i64, scratch_operands = 0 : i64, tpu.core_type = #tpu.core_type<tc>, window_params = [{transform_indices = @transform_0, window_bounds = array<i64: 16, 32>}, {pipeline_mode = #tpu.pipeline_mode<synchronous>, transform_indices = @transform_1, window_bounds = array<i64: 32, 8192>}, {transform_indices = @transform_2, window_bounds = array<i64: 16, 1>}]} {
    %get3A = arith.constant 0 : index
    %get3A_0 = arith.constant 0 : index
    %get3A_1 = vector.load %arg1[%get3A, %get3A_0] : memref<16x32xf32, #tpu.memory_space<vmem>>, vector<16x32xf32>
    %broadcast_in_dim3A = arith.constant 0xFF800000 : f32
    %broadcast_in_dim3A_2 = vector.broadcast %broadcast_in_dim3A : f32 to vector<16x1xf32>
    %broadcast_in_dim3A_3 = arith.constant 0 : i32
    %broadcast_in_dim3A_4 = vector.broadcast %broadcast_in_dim3A_3 : i32 to vector<16x1xi32>
    %scan3A = arith.constant 0 : i32
    %scan3A_5 = arith.constant 4 : i32
    %scan3A_6 = arith.addi %scan3A, %scan3A_5 : i32
    %scan3A_7 = arith.constant 1 : i32
    %scan3A_8:2 = scf.for %scan3A_12 = %scan3A to %scan3A_6 step %scan3A_7 iter_args(%scan3A_13 = %broadcast_in_dim3A_2, %scan3A_14 = %broadcast_in_dim3A_4) -> (vector<16x1xf32>, vector<16x1xi32>)  : i32 {
      %mul3A = arith.constant 2048 : i32
      %mul3A_15 = arith.muli %scan3A_12, %mul3A : i32
      %get3A_16 = arith.constant 0 : index
      %get3A_17 = arith.index_cast %mul3A_15 : i32 to index
      %get3A_18 = vector.load %arg2[%get3A_16, %get3A_17] : memref<32x8192xf32, #tpu.memory_space<vmem>>, vector<32x2048xf32>
      %dot_general3A = arith.constant dense<0.000000e+00> : vector<16x2048xf32>
      %dot_general3A_19 = tpu.matmul %get3A_1, %get3A_18, %dot_general3A {dimension_numbers = #tpu.dot_dimension_numbers<[1], [0], [0], [1], [0, 0, 1, 1], [], []>, transpose_lhs_hint = false} : vector<16x32xf32>, vector<32x2048xf32>, vector<16x2048xf32> -> vector<16x2048xf32>
      %reduce_max3A = arith.constant dense<0xFF800000> : vector<16xf32>
      %reduce_max3A_20 = vector.multi_reduction <maximumf>, %dot_general3A_19, %reduce_max3A [1] : vector<16x2048xf32> to vector<16xf32>
      %broadcast_in_dim3A_21 = vector.shape_cast %reduce_max3A_20 : vector<16xf32> to vector<16x1xf32>
      %iota3A = tpu.iota {dimensions = array<i32: 1>} : vector<16x2048xi32>
      %mul3A_22 = arith.constant 2048 : i32
      %mul3A_23 = arith.muli %scan3A_12, %mul3A_22 : i32
      %add3A = vector.broadcast %mul3A_23 : i32 to vector<16x2048xi32>
      %add3A_24 = arith.addi %iota3A, %add3A : vector<16x2048xi32>
      %ge3A = vector.broadcast %broadcast_in_dim3A_21 : vector<16x1xf32> to vector<16x2048xf32>
      %ge3A_25 = arith.cmpf oge, %dot_general3A_19, %ge3A : vector<16x2048xf32>
      %jit3A = arith.constant 8192 : i32
      %broadcast_in_dim3A_26 = vector.broadcast %jit3A : i32 to vector<16x2048xi32>
      %select_n3A = arith.select %ge3A_25, %add3A_24, %broadcast_in_dim3A_26 : vector<16x2048xi1>, vector<16x2048xi32>
      %reduce_min3A = arith.constant dense<2147483647> : vector<16xi32>
      %reduce_min3A_27 = vector.multi_reduction <minsi>, %select_n3A, %reduce_min3A [1] : vector<16x2048xi32> to vector<16xi32>
      %broadcast_in_dim3A_28 = vector.shape_cast %reduce_min3A_27 : vector<16xi32> to vector<16x1xi32>
      %gt3A = arith.cmpf ogt, %broadcast_in_dim3A_21, %scan3A_13 : vector<16x1xf32>
      %max3A = arith.maximumf %scan3A_13, %broadcast_in_dim3A_21 : vector<16x1xf32>
      %select_n3A_29 = arith.select %gt3A, %broadcast_in_dim3A_28, %scan3A_14 : vector<16x1xi1>, vector<16x1xi32>
      scf.yield %max3A, %select_n3A_29 : vector<16x1xf32>, vector<16x1xi32>
    }
    %scan3A_9 = arith.constant 4 : i32
    %swap3A = arith.constant 0 : index
    %swap3A_10 = arith.constant 0 : index
    %swap3A_11 = vector.load %arg3[%swap3A, %swap3A_10] : memref<16x1xi32, #tpu.memory_space<vmem>>, vector<16x1xi32>
    tpu.vector_store %arg3[%swap3A, %swap3A_10], %scan3A_8#1 {strides = array<i32>} : memref<16x1xi32, #tpu.memory_space<vmem>>, vector<16x1xi32>,
    return
  }
  func.func @transform_0(%arg0: i32) -> (i32, i32) {
    %c0_i32 = arith.constant 0 : i32
    %c0_i32_0 = arith.constant 0 : i32
    return %arg0, %c0_i32 : i32, i32
  }
  func.func @transform_1(%arg0: i32) -> (i32, i32) {
    %c0_i32 = arith.constant 0 : i32
    %c0_i32_0 = arith.constant 0 : i32
    %c0_i32_1 = arith.constant 0 : i32
    return %c0_i32, %c0_i32_0 : i32, i32
  }
  func.func @transform_2(%arg0: i32) -> (i32, i32) {
    %c0_i32 = arith.constant 0 : i32
    %c0_i32_0 = arith.constant 0 : i32
    return %arg0, %c0_i32 : i32, i32
  }
}

module attributes {stable_mosaic.version = 14 : i64} {
  func.func @_quant_body(%arg0: i32, %arg1: memref<64x32xf32, #tpu.memory_space<vmem>>, %arg2: memref<32x8192xf32, #tpu.memory_space<vmem>>, %arg3: memref<64x1xi32, #tpu.memory_space<vmem>>) attributes {dimension_semantics = [#tpu.dimension_semantics<arbitrary>], iteration_bounds = array<i64: 1>, scalar_prefetch = 0 : i64, scratch_operands = 0 : i64, tpu.core_type = #tpu.core_type<tc>, window_params = [{transform_indices = @transform_0, window_bounds = array<i64: 64, 32>}, {pipeline_mode = #tpu.pipeline_mode<synchronous>, transform_indices = @transform_1, window_bounds = array<i64: 32, 8192>}, {transform_indices = @transform_2, window_bounds = array<i64: 64, 1>}]} {
    %get3A = arith.constant 0 : index
    %get3A_0 = arith.constant 0 : index
    %get3A_1 = vector.load %arg1[%get3A, %get3A_0] : memref<64x32xf32, #tpu.memory_space<vmem>>, vector<64x32xf32>
    %broadcast_in_dim3A = arith.constant 0xFF800000 : f32
    %broadcast_in_dim3A_2 = vector.broadcast %broadcast_in_dim3A : f32 to vector<64x1xf32>
    %broadcast_in_dim3A_3 = arith.constant 0 : i32
    %broadcast_in_dim3A_4 = vector.broadcast %broadcast_in_dim3A_3 : i32 to vector<64x1xi32>
    %scan3A = arith.constant 0 : i32
    %scan3A_5 = arith.constant 4 : i32
    %scan3A_6 = arith.addi %scan3A, %scan3A_5 : i32
    %scan3A_7 = arith.constant 1 : i32
    %scan3A_8:2 = scf.for %scan3A_12 = %scan3A to %scan3A_6 step %scan3A_7 iter_args(%scan3A_13 = %broadcast_in_dim3A_2, %scan3A_14 = %broadcast_in_dim3A_4) -> (vector<64x1xf32>, vector<64x1xi32>)  : i32 {
      %mul3A = arith.constant 2048 : i32
      %mul3A_15 = arith.muli %scan3A_12, %mul3A : i32
      %get3A_16 = arith.constant 0 : index
      %get3A_17 = arith.index_cast %mul3A_15 : i32 to index
      %get3A_18 = vector.load %arg2[%get3A_16, %get3A_17] : memref<32x8192xf32, #tpu.memory_space<vmem>>, vector<32x2048xf32>
      %dot_general3A = arith.constant dense<0.000000e+00> : vector<64x2048xf32>
      %dot_general3A_19 = tpu.matmul %get3A_1, %get3A_18, %dot_general3A {dimension_numbers = #tpu.dot_dimension_numbers<[1], [0], [0], [1], [0, 0, 1, 1], [], []>, transpose_lhs_hint = false} : vector<64x32xf32>, vector<32x2048xf32>, vector<64x2048xf32> -> vector<64x2048xf32>
      %reduce_max3A = arith.constant dense<0xFF800000> : vector<64xf32>
      %reduce_max3A_20 = vector.multi_reduction <maximumf>, %dot_general3A_19, %reduce_max3A [1] : vector<64x2048xf32> to vector<64xf32>
      %broadcast_in_dim3A_21 = vector.shape_cast %reduce_max3A_20 : vector<64xf32> to vector<64x1xf32>
      %iota3A = tpu.iota {dimensions = array<i32: 1>} : vector<64x2048xi32>
      %mul3A_22 = arith.constant 2048 : i32
      %mul3A_23 = arith.muli %scan3A_12, %mul3A_22 : i32
      %add3A = vector.broadcast %mul3A_23 : i32 to vector<64x2048xi32>
      %add3A_24 = arith.addi %iota3A, %add3A : vector<64x2048xi32>
      %ge3A = vector.broadcast %broadcast_in_dim3A_21 : vector<64x1xf32> to vector<64x2048xf32>
      %ge3A_25 = arith.cmpf oge, %dot_general3A_19, %ge3A : vector<64x2048xf32>
      %jit3A = arith.constant 8192 : i32
      %broadcast_in_dim3A_26 = vector.broadcast %jit3A : i32 to vector<64x2048xi32>
      %select_n3A = arith.select %ge3A_25, %add3A_24, %broadcast_in_dim3A_26 : vector<64x2048xi1>, vector<64x2048xi32>
      %reduce_min3A = arith.constant dense<2147483647> : vector<64xi32>
      %reduce_min3A_27 = vector.multi_reduction <minsi>, %select_n3A, %reduce_min3A [1] : vector<64x2048xi32> to vector<64xi32>
      %broadcast_in_dim3A_28 = vector.shape_cast %reduce_min3A_27 : vector<64xi32> to vector<64x1xi32>
      %gt3A = arith.cmpf ogt, %broadcast_in_dim3A_21, %scan3A_13 : vector<64x1xf32>
      %max3A = arith.maximumf %scan3A_13, %broadcast_in_dim3A_21 : vector<64x1xf32>
      %select_n3A_29 = arith.select %gt3A, %broadcast_in_dim3A_28, %scan3A_14 : vector<64x1xi1>, vector<64x1xi32>
      scf.yield %max3A, %select_n3A_29 : vector<64x1xf32>, vector<64x1xi32>
    }
    %scan3A_9 = arith.constant 4 : i32
    %swap3A = arith.constant 0 : index
    %swap3A_10 = arith.constant 0 : index
    %swap3A_11 = vector.load %arg3[%swap3A, %swap3A_10] : memref<64x1xi32, #tpu.memory_space<vmem>>, vector<64x1xi32>
    tpu.vector_store %arg3[%swap3A, %swap3A_10], %scan3A_8#1 {strides = array<i32>} : memref<64x1xi32, #tpu.memory_space<vmem>>, vector<64x1xi32>,
    return
  }
  func.func @transform_0(%arg0: i32) -> (i32, i32) {
    %c0_i32 = arith.constant 0 : i32
    %c0_i32_0 = arith.constant 0 : i32
    return %arg0, %c0_i32 : i32, i32
  }
  func.func @transform_1(%arg0: i32) -> (i32, i32) {
    %c0_i32 = arith.constant 0 : i32
    %c0_i32_0 = arith.constant 0 : i32
    %c0_i32_1 = arith.constant 0 : i32
    return %c0_i32, %c0_i32_0 : i32, i32
  }
  func.func @transform_2(%arg0: i32) -> (i32, i32) {
    %c0_i32 = arith.constant 0 : i32
    %c0_i32_0 = arith.constant 0 : i32
    return %arg0, %c0_i32 : i32, i32
  }
}

module attributes {stable_mosaic.version = 14 : i64} {
  func.func @_quant_body(%arg0: i32, %arg1: memref<256x32xf32, #tpu.memory_space<vmem>>, %arg2: memref<32x8192xf32, #tpu.memory_space<vmem>>, %arg3: memref<256x1xi32, #tpu.memory_space<vmem>>) attributes {dimension_semantics = [#tpu.dimension_semantics<arbitrary>], iteration_bounds = array<i64: 1>, scalar_prefetch = 0 : i64, scratch_operands = 0 : i64, tpu.core_type = #tpu.core_type<tc>, window_params = [{transform_indices = @transform_0, window_bounds = array<i64: 256, 32>}, {pipeline_mode = #tpu.pipeline_mode<synchronous>, transform_indices = @transform_1, window_bounds = array<i64: 32, 8192>}, {transform_indices = @transform_2, window_bounds = array<i64: 256, 1>}]} {
    %get3A = arith.constant 0 : index
    %get3A_0 = arith.constant 0 : index
    %get3A_1 = vector.load %arg1[%get3A, %get3A_0] : memref<256x32xf32, #tpu.memory_space<vmem>>, vector<256x32xf32>
    %broadcast_in_dim3A = arith.constant 0xFF800000 : f32
    %broadcast_in_dim3A_2 = vector.broadcast %broadcast_in_dim3A : f32 to vector<256x1xf32>
    %broadcast_in_dim3A_3 = arith.constant 0 : i32
    %broadcast_in_dim3A_4 = vector.broadcast %broadcast_in_dim3A_3 : i32 to vector<256x1xi32>
    %scan3A = arith.constant 0 : i32
    %scan3A_5 = arith.constant 4 : i32
    %scan3A_6 = arith.addi %scan3A, %scan3A_5 : i32
    %scan3A_7 = arith.constant 1 : i32
    %scan3A_8:2 = scf.for %scan3A_12 = %scan3A to %scan3A_6 step %scan3A_7 iter_args(%scan3A_13 = %broadcast_in_dim3A_2, %scan3A_14 = %broadcast_in_dim3A_4) -> (vector<256x1xf32>, vector<256x1xi32>)  : i32 {
      %mul3A = arith.constant 2048 : i32
      %mul3A_15 = arith.muli %scan3A_12, %mul3A : i32
      %get3A_16 = arith.constant 0 : index
      %get3A_17 = arith.index_cast %mul3A_15 : i32 to index
      %get3A_18 = vector.load %arg2[%get3A_16, %get3A_17] : memref<32x8192xf32, #tpu.memory_space<vmem>>, vector<32x2048xf32>
      %dot_general3A = arith.constant dense<0.000000e+00> : vector<256x2048xf32>
      %dot_general3A_19 = tpu.matmul %get3A_1, %get3A_18, %dot_general3A {dimension_numbers = #tpu.dot_dimension_numbers<[1], [0], [0], [1], [0, 0, 1, 1], [], []>, transpose_lhs_hint = false} : vector<256x32xf32>, vector<32x2048xf32>, vector<256x2048xf32> -> vector<256x2048xf32>
      %reduce_max3A = arith.constant dense<0xFF800000> : vector<256xf32>
      %reduce_max3A_20 = vector.multi_reduction <maximumf>, %dot_general3A_19, %reduce_max3A [1] : vector<256x2048xf32> to vector<256xf32>
      %broadcast_in_dim3A_21 = vector.shape_cast %reduce_max3A_20 : vector<256xf32> to vector<256x1xf32>
      %iota3A = tpu.iota {dimensions = array<i32: 1>} : vector<256x2048xi32>
      %mul3A_22 = arith.constant 2048 : i32
      %mul3A_23 = arith.muli %scan3A_12, %mul3A_22 : i32
      %add3A = vector.broadcast %mul3A_23 : i32 to vector<256x2048xi32>
      %add3A_24 = arith.addi %iota3A, %add3A : vector<256x2048xi32>
      %ge3A = vector.broadcast %broadcast_in_dim3A_21 : vector<256x1xf32> to vector<256x2048xf32>
      %ge3A_25 = arith.cmpf oge, %dot_general3A_19, %ge3A : vector<256x2048xf32>
      %jit3A = arith.constant 8192 : i32
      %broadcast_in_dim3A_26 = vector.broadcast %jit3A : i32 to vector<256x2048xi32>
      %select_n3A = arith.select %ge3A_25, %add3A_24, %broadcast_in_dim3A_26 : vector<256x2048xi1>, vector<256x2048xi32>
      %reduce_min3A = arith.constant dense<2147483647> : vector<256xi32>
      %reduce_min3A_27 = vector.multi_reduction <minsi>, %select_n3A, %reduce_min3A [1] : vector<256x2048xi32> to vector<256xi32>
      %broadcast_in_dim3A_28 = vector.shape_cast %reduce_min3A_27 : vector<256xi32> to vector<256x1xi32>
      %gt3A = arith.cmpf ogt, %broadcast_in_dim3A_21, %scan3A_13 : vector<256x1xf32>
      %max3A = arith.maximumf %scan3A_13, %broadcast_in_dim3A_21 : vector<256x1xf32>
      %select_n3A_29 = arith.select %gt3A, %broadcast_in_dim3A_28, %scan3A_14 : vector<256x1xi1>, vector<256x1xi32>
      scf.yield %max3A, %select_n3A_29 : vector<256x1xf32>, vector<256x1xi32>
    }
    %scan3A_9 = arith.constant 4 : i32
    %swap3A = arith.constant 0 : index
    %swap3A_10 = arith.constant 0 : index
    %swap3A_11 = vector.load %arg3[%swap3A, %swap3A_10] : memref<256x1xi32, #tpu.memory_space<vmem>>, vector<256x1xi32>
    tpu.vector_store %arg3[%swap3A, %swap3A_10], %scan3A_8#1 {strides = array<i32>} : memref<256x1xi32, #tpu.memory_space<vmem>>, vector<256x1xi32>,
    return
  }
  func.func @transform_0(%arg0: i32) -> (i32, i32) {
    %c0_i32 = arith.constant 0 : i32
    %c0_i32_0 = arith.constant 0 : i32
    return %arg0, %c0_i32 : i32, i32
  }
  func.func @transform_1(%arg0: i32) -> (i32, i32) {
    %c0_i32 = arith.constant 0 : i32
    %c0_i32_0 = arith.constant 0 : i32
    %c0_i32_1 = arith.constant 0 : i32
    return %c0_i32, %c0_i32_0 : i32, i32
  }
  func.func @transform_2(%arg0: i32) -> (i32, i32) {
    %c0_i32 = arith.constant 0 : i32
    %c0_i32_0 = arith.constant 0 : i32
    return %arg0, %c0_i32 : i32, i32
  }
}

module attributes {stable_mosaic.version = 14 : i64} {
  func.func @_quant_body(%arg0: i32, %arg1: memref<1024x32xf32, #tpu.memory_space<vmem>>, %arg2: memref<32x8192xf32, #tpu.memory_space<vmem>>, %arg3: memref<1024x1xi32, #tpu.memory_space<vmem>>) attributes {dimension_semantics = [#tpu.dimension_semantics<arbitrary>], iteration_bounds = array<i64: 1>, scalar_prefetch = 0 : i64, scratch_operands = 0 : i64, tpu.core_type = #tpu.core_type<tc>, window_params = [{transform_indices = @transform_0, window_bounds = array<i64: 1024, 32>}, {pipeline_mode = #tpu.pipeline_mode<synchronous>, transform_indices = @transform_1, window_bounds = array<i64: 32, 8192>}, {transform_indices = @transform_2, window_bounds = array<i64: 1024, 1>}]} {
    %get3A = arith.constant 0 : index
    %get3A_0 = arith.constant 0 : index
    %get3A_1 = vector.load %arg1[%get3A, %get3A_0] : memref<1024x32xf32, #tpu.memory_space<vmem>>, vector<1024x32xf32>
    %broadcast_in_dim3A = arith.constant 0xFF800000 : f32
    %broadcast_in_dim3A_2 = vector.broadcast %broadcast_in_dim3A : f32 to vector<1024x1xf32>
    %broadcast_in_dim3A_3 = arith.constant 0 : i32
    %broadcast_in_dim3A_4 = vector.broadcast %broadcast_in_dim3A_3 : i32 to vector<1024x1xi32>
    %scan3A = arith.constant 0 : i32
    %scan3A_5 = arith.constant 4 : i32
    %scan3A_6 = arith.addi %scan3A, %scan3A_5 : i32
    %scan3A_7 = arith.constant 1 : i32
    %scan3A_8:2 = scf.for %scan3A_12 = %scan3A to %scan3A_6 step %scan3A_7 iter_args(%scan3A_13 = %broadcast_in_dim3A_2, %scan3A_14 = %broadcast_in_dim3A_4) -> (vector<1024x1xf32>, vector<1024x1xi32>)  : i32 {
      %mul3A = arith.constant 2048 : i32
      %mul3A_15 = arith.muli %scan3A_12, %mul3A : i32
      %get3A_16 = arith.constant 0 : index
      %get3A_17 = arith.index_cast %mul3A_15 : i32 to index
      %get3A_18 = vector.load %arg2[%get3A_16, %get3A_17] : memref<32x8192xf32, #tpu.memory_space<vmem>>, vector<32x2048xf32>
      %dot_general3A = arith.constant dense<0.000000e+00> : vector<1024x2048xf32>
      %dot_general3A_19 = tpu.matmul %get3A_1, %get3A_18, %dot_general3A {dimension_numbers = #tpu.dot_dimension_numbers<[1], [0], [0], [1], [0, 0, 1, 1], [], []>, transpose_lhs_hint = false} : vector<1024x32xf32>, vector<32x2048xf32>, vector<1024x2048xf32> -> vector<1024x2048xf32>
      %reduce_max3A = arith.constant dense<0xFF800000> : vector<1024xf32>
      %reduce_max3A_20 = vector.multi_reduction <maximumf>, %dot_general3A_19, %reduce_max3A [1] : vector<1024x2048xf32> to vector<1024xf32>
      %broadcast_in_dim3A_21 = vector.shape_cast %reduce_max3A_20 : vector<1024xf32> to vector<1024x1xf32>
      %iota3A = tpu.iota {dimensions = array<i32: 1>} : vector<1024x2048xi32>
      %mul3A_22 = arith.constant 2048 : i32
      %mul3A_23 = arith.muli %scan3A_12, %mul3A_22 : i32
      %add3A = vector.broadcast %mul3A_23 : i32 to vector<1024x2048xi32>
      %add3A_24 = arith.addi %iota3A, %add3A : vector<1024x2048xi32>
      %ge3A = vector.broadcast %broadcast_in_dim3A_21 : vector<1024x1xf32> to vector<1024x2048xf32>
      %ge3A_25 = arith.cmpf oge, %dot_general3A_19, %ge3A : vector<1024x2048xf32>
      %jit3A = arith.constant 8192 : i32
      %broadcast_in_dim3A_26 = vector.broadcast %jit3A : i32 to vector<1024x2048xi32>
      %select_n3A = arith.select %ge3A_25, %add3A_24, %broadcast_in_dim3A_26 : vector<1024x2048xi1>, vector<1024x2048xi32>
      %reduce_min3A = arith.constant dense<2147483647> : vector<1024xi32>
      %reduce_min3A_27 = vector.multi_reduction <minsi>, %select_n3A, %reduce_min3A [1] : vector<1024x2048xi32> to vector<1024xi32>
      %broadcast_in_dim3A_28 = vector.shape_cast %reduce_min3A_27 : vector<1024xi32> to vector<1024x1xi32>
      %gt3A = arith.cmpf ogt, %broadcast_in_dim3A_21, %scan3A_13 : vector<1024x1xf32>
      %max3A = arith.maximumf %scan3A_13, %broadcast_in_dim3A_21 : vector<1024x1xf32>
      %select_n3A_29 = arith.select %gt3A, %broadcast_in_dim3A_28, %scan3A_14 : vector<1024x1xi1>, vector<1024x1xi32>
      scf.yield %max3A, %select_n3A_29 : vector<1024x1xf32>, vector<1024x1xi32>
    }
    %scan3A_9 = arith.constant 4 : i32
    %swap3A = arith.constant 0 : index
    %swap3A_10 = arith.constant 0 : index
    %swap3A_11 = vector.load %arg3[%swap3A, %swap3A_10] : memref<1024x1xi32, #tpu.memory_space<vmem>>, vector<1024x1xi32>
    tpu.vector_store %arg3[%swap3A, %swap3A_10], %scan3A_8#1 {strides = array<i32>} : memref<1024x1xi32, #tpu.memory_space<vmem>>, vector<1024x1xi32>,
    return
  }
  func.func @transform_0(%arg0: i32) -> (i32, i32) {
    %c0_i32 = arith.constant 0 : i32
    %c0_i32_0 = arith.constant 0 : i32
    return %arg0, %c0_i32 : i32, i32
  }
  func.func @transform_1(%arg0: i32) -> (i32, i32) {
    %c0_i32 = arith.constant 0 : i32
    %c0_i32_0 = arith.constant 0 : i32
    %c0_i32_1 = arith.constant 0 : i32
    return %c0_i32, %c0_i32_0 : i32, i32
  }
  func.func @transform_2(%arg0: i32) -> (i32, i32) {
    %c0_i32 = arith.constant 0 : i32
    %c0_i32_0 = arith.constant 0 : i32
    return %arg0, %c0_i32 : i32, i32
  }
}

module attributes {stable_mosaic.version = 14 : i64} {
  func.func @_quant_body(%arg0: i32, %arg1: memref<2048x32xf32, #tpu.memory_space<vmem>>, %arg2: memref<32x8192xf32, #tpu.memory_space<vmem>>, %arg3: memref<2048x1xi32, #tpu.memory_space<vmem>>) attributes {dimension_semantics = [#tpu.dimension_semantics<arbitrary>], iteration_bounds = array<i64: 2>, scalar_prefetch = 0 : i64, scratch_operands = 0 : i64, tpu.core_type = #tpu.core_type<tc>, window_params = [{transform_indices = @transform_0, window_bounds = array<i64: 2048, 32>}, {pipeline_mode = #tpu.pipeline_mode<synchronous>, transform_indices = @transform_1, window_bounds = array<i64: 32, 8192>}, {transform_indices = @transform_2, window_bounds = array<i64: 2048, 1>}]} {
    %get3A = arith.constant 0 : index
    %get3A_0 = arith.constant 0 : index
    %get3A_1 = vector.load %arg1[%get3A, %get3A_0] : memref<2048x32xf32, #tpu.memory_space<vmem>>, vector<2048x32xf32>
    %broadcast_in_dim3A = arith.constant 0xFF800000 : f32
    %broadcast_in_dim3A_2 = vector.broadcast %broadcast_in_dim3A : f32 to vector<2048x1xf32>
    %broadcast_in_dim3A_3 = arith.constant 0 : i32
    %broadcast_in_dim3A_4 = vector.broadcast %broadcast_in_dim3A_3 : i32 to vector<2048x1xi32>
    %scan3A = arith.constant 0 : i32
    %scan3A_5 = arith.constant 4 : i32
    %scan3A_6 = arith.addi %scan3A, %scan3A_5 : i32
    %scan3A_7 = arith.constant 1 : i32
    %scan3A_8:2 = scf.for %scan3A_12 = %scan3A to %scan3A_6 step %scan3A_7 iter_args(%scan3A_13 = %broadcast_in_dim3A_2, %scan3A_14 = %broadcast_in_dim3A_4) -> (vector<2048x1xf32>, vector<2048x1xi32>)  : i32 {
      %mul3A = arith.constant 2048 : i32
      %mul3A_15 = arith.muli %scan3A_12, %mul3A : i32
      %get3A_16 = arith.constant 0 : index
      %get3A_17 = arith.index_cast %mul3A_15 : i32 to index
      %get3A_18 = vector.load %arg2[%get3A_16, %get3A_17] : memref<32x8192xf32, #tpu.memory_space<vmem>>, vector<32x2048xf32>
      %dot_general3A = arith.constant dense<0.000000e+00> : vector<2048x2048xf32>
      %dot_general3A_19 = tpu.matmul %get3A_1, %get3A_18, %dot_general3A {dimension_numbers = #tpu.dot_dimension_numbers<[1], [0], [0], [1], [0, 0, 1, 1], [], []>, transpose_lhs_hint = false} : vector<2048x32xf32>, vector<32x2048xf32>, vector<2048x2048xf32> -> vector<2048x2048xf32>
      %reduce_max3A = arith.constant dense<0xFF800000> : vector<2048xf32>
      %reduce_max3A_20 = vector.multi_reduction <maximumf>, %dot_general3A_19, %reduce_max3A [1] : vector<2048x2048xf32> to vector<2048xf32>
      %broadcast_in_dim3A_21 = vector.shape_cast %reduce_max3A_20 : vector<2048xf32> to vector<2048x1xf32>
      %iota3A = tpu.iota {dimensions = array<i32: 1>} : vector<2048x2048xi32>
      %mul3A_22 = arith.constant 2048 : i32
      %mul3A_23 = arith.muli %scan3A_12, %mul3A_22 : i32
      %add3A = vector.broadcast %mul3A_23 : i32 to vector<2048x2048xi32>
      %add3A_24 = arith.addi %iota3A, %add3A : vector<2048x2048xi32>
      %ge3A = vector.broadcast %broadcast_in_dim3A_21 : vector<2048x1xf32> to vector<2048x2048xf32>
      %ge3A_25 = arith.cmpf oge, %dot_general3A_19, %ge3A : vector<2048x2048xf32>
      %jit3A = arith.constant 8192 : i32
      %broadcast_in_dim3A_26 = vector.broadcast %jit3A : i32 to vector<2048x2048xi32>
      %select_n3A = arith.select %ge3A_25, %add3A_24, %broadcast_in_dim3A_26 : vector<2048x2048xi1>, vector<2048x2048xi32>
      %reduce_min3A = arith.constant dense<2147483647> : vector<2048xi32>
      %reduce_min3A_27 = vector.multi_reduction <minsi>, %select_n3A, %reduce_min3A [1] : vector<2048x2048xi32> to vector<2048xi32>
      %broadcast_in_dim3A_28 = vector.shape_cast %reduce_min3A_27 : vector<2048xi32> to vector<2048x1xi32>
      %gt3A = arith.cmpf ogt, %broadcast_in_dim3A_21, %scan3A_13 : vector<2048x1xf32>
      %max3A = arith.maximumf %scan3A_13, %broadcast_in_dim3A_21 : vector<2048x1xf32>
      %select_n3A_29 = arith.select %gt3A, %broadcast_in_dim3A_28, %scan3A_14 : vector<2048x1xi1>, vector<2048x1xi32>
      scf.yield %max3A, %select_n3A_29 : vector<2048x1xf32>, vector<2048x1xi32>
    }
    %scan3A_9 = arith.constant 4 : i32
    %swap3A = arith.constant 0 : index
    %swap3A_10 = arith.constant 0 : index
    %swap3A_11 = vector.load %arg3[%swap3A, %swap3A_10] : memref<2048x1xi32, #tpu.memory_space<vmem>>, vector<2048x1xi32>
    tpu.vector_store %arg3[%swap3A, %swap3A_10], %scan3A_8#1 {strides = array<i32>} : memref<2048x1xi32, #tpu.memory_space<vmem>>, vector<2048x1xi32>,
    return
  }
  func.func @transform_0(%arg0: i32) -> (i32, i32) {
    %c0_i32 = arith.constant 0 : i32
    %c0_i32_0 = arith.constant 0 : i32
    return %arg0, %c0_i32 : i32, i32
  }
  func.func @transform_1(%arg0: i32) -> (i32, i32) {
    %c0_i32 = arith.constant 0 : i32
    %c0_i32_0 = arith.constant 0 : i32
    %c0_i32_1 = arith.constant 0 : i32
    return %c0_i32, %c0_i32_0 : i32, i32
  }
  func.func @transform_2(%arg0: i32) -> (i32, i32) {
    %c0_i32 = arith.constant 0 : i32
    %c0_i32_0 = arith.constant 0 : i32
    return %arg0, %c0_i32 : i32, i32
  }
}

module attributes {stable_mosaic.version = 14 : i64} {
  func.func @_quant_body(%arg0: i32, %arg1: memref<2048x32xf32, #tpu.memory_space<vmem>>, %arg2: memref<32x8192xf32, #tpu.memory_space<vmem>>, %arg3: memref<2048x1xi32, #tpu.memory_space<vmem>>) attributes {dimension_semantics = [#tpu.dimension_semantics<arbitrary>], iteration_bounds = array<i64: 8>, scalar_prefetch = 0 : i64, scratch_operands = 0 : i64, tpu.core_type = #tpu.core_type<tc>, window_params = [{transform_indices = @transform_0, window_bounds = array<i64: 2048, 32>}, {pipeline_mode = #tpu.pipeline_mode<synchronous>, transform_indices = @transform_1, window_bounds = array<i64: 32, 8192>}, {transform_indices = @transform_2, window_bounds = array<i64: 2048, 1>}]} {
    %get3A = arith.constant 0 : index
    %get3A_0 = arith.constant 0 : index
    %get3A_1 = vector.load %arg1[%get3A, %get3A_0] : memref<2048x32xf32, #tpu.memory_space<vmem>>, vector<2048x32xf32>
    %broadcast_in_dim3A = arith.constant 0xFF800000 : f32
    %broadcast_in_dim3A_2 = vector.broadcast %broadcast_in_dim3A : f32 to vector<2048x1xf32>
    %broadcast_in_dim3A_3 = arith.constant 0 : i32
    %broadcast_in_dim3A_4 = vector.broadcast %broadcast_in_dim3A_3 : i32 to vector<2048x1xi32>
    %scan3A = arith.constant 0 : i32
    %scan3A_5 = arith.constant 4 : i32
    %scan3A_6 = arith.addi %scan3A, %scan3A_5 : i32
    %scan3A_7 = arith.constant 1 : i32
    %scan3A_8:2 = scf.for %scan3A_12 = %scan3A to %scan3A_6 step %scan3A_7 iter_args(%scan3A_13 = %broadcast_in_dim3A_2, %scan3A_14 = %broadcast_in_dim3A_4) -> (vector<2048x1xf32>, vector<2048x1xi32>)  : i32 {
      %mul3A = arith.constant 2048 : i32
      %mul3A_15 = arith.muli %scan3A_12, %mul3A : i32
      %get3A_16 = arith.constant 0 : index
      %get3A_17 = arith.index_cast %mul3A_15 : i32 to index
      %get3A_18 = vector.load %arg2[%get3A_16, %get3A_17] : memref<32x8192xf32, #tpu.memory_space<vmem>>, vector<32x2048xf32>
      %dot_general3A = arith.constant dense<0.000000e+00> : vector<2048x2048xf32>
      %dot_general3A_19 = tpu.matmul %get3A_1, %get3A_18, %dot_general3A {dimension_numbers = #tpu.dot_dimension_numbers<[1], [0], [0], [1], [0, 0, 1, 1], [], []>, transpose_lhs_hint = false} : vector<2048x32xf32>, vector<32x2048xf32>, vector<2048x2048xf32> -> vector<2048x2048xf32>
      %reduce_max3A = arith.constant dense<0xFF800000> : vector<2048xf32>
      %reduce_max3A_20 = vector.multi_reduction <maximumf>, %dot_general3A_19, %reduce_max3A [1] : vector<2048x2048xf32> to vector<2048xf32>
      %broadcast_in_dim3A_21 = vector.shape_cast %reduce_max3A_20 : vector<2048xf32> to vector<2048x1xf32>
      %iota3A = tpu.iota {dimensions = array<i32: 1>} : vector<2048x2048xi32>
      %mul3A_22 = arith.constant 2048 : i32
      %mul3A_23 = arith.muli %scan3A_12, %mul3A_22 : i32
      %add3A = vector.broadcast %mul3A_23 : i32 to vector<2048x2048xi32>
      %add3A_24 = arith.addi %iota3A, %add3A : vector<2048x2048xi32>
      %ge3A = vector.broadcast %broadcast_in_dim3A_21 : vector<2048x1xf32> to vector<2048x2048xf32>
      %ge3A_25 = arith.cmpf oge, %dot_general3A_19, %ge3A : vector<2048x2048xf32>
      %jit3A = arith.constant 8192 : i32
      %broadcast_in_dim3A_26 = vector.broadcast %jit3A : i32 to vector<2048x2048xi32>
      %select_n3A = arith.select %ge3A_25, %add3A_24, %broadcast_in_dim3A_26 : vector<2048x2048xi1>, vector<2048x2048xi32>
      %reduce_min3A = arith.constant dense<2147483647> : vector<2048xi32>
      %reduce_min3A_27 = vector.multi_reduction <minsi>, %select_n3A, %reduce_min3A [1] : vector<2048x2048xi32> to vector<2048xi32>
      %broadcast_in_dim3A_28 = vector.shape_cast %reduce_min3A_27 : vector<2048xi32> to vector<2048x1xi32>
      %gt3A = arith.cmpf ogt, %broadcast_in_dim3A_21, %scan3A_13 : vector<2048x1xf32>
      %max3A = arith.maximumf %scan3A_13, %broadcast_in_dim3A_21 : vector<2048x1xf32>
      %select_n3A_29 = arith.select %gt3A, %broadcast_in_dim3A_28, %scan3A_14 : vector<2048x1xi1>, vector<2048x1xi32>
      scf.yield %max3A, %select_n3A_29 : vector<2048x1xf32>, vector<2048x1xi32>
    }
    %scan3A_9 = arith.constant 4 : i32
    %swap3A = arith.constant 0 : index
    %swap3A_10 = arith.constant 0 : index
    %swap3A_11 = vector.load %arg3[%swap3A, %swap3A_10] : memref<2048x1xi32, #tpu.memory_space<vmem>>, vector<2048x1xi32>
    tpu.vector_store %arg3[%swap3A, %swap3A_10], %scan3A_8#1 {strides = array<i32>} : memref<2048x1xi32, #tpu.memory_space<vmem>>, vector<2048x1xi32>,
    return
  }
  func.func @transform_0(%arg0: i32) -> (i32, i32) {
    %c0_i32 = arith.constant 0 : i32
    %c0_i32_0 = arith.constant 0 : i32
    return %arg0, %c0_i32 : i32, i32
  }
  func.func @transform_1(%arg0: i32) -> (i32, i32) {
    %c0_i32 = arith.constant 0 : i32
    %c0_i32_0 = arith.constant 0 : i32
    %c0_i32_1 = arith.constant 0 : i32
    return %c0_i32, %c0_i32_0 : i32, i32
  }
  func.func @transform_2(%arg0: i32) -> (i32, i32) {
    %c0_i32 = arith.constant 0 : i32
    %c0_i32_0 = arith.constant 0 : i32
    return %arg0, %c0_i32 : i32, i32
  }
}

</mosaic_0001>

<sc_bundles>
// kernel: kernel.14.cloned.1.call-start
scs
__scs_entry_jumppad:
0x0: {  	(pc) =	sbr.rel $0x88, $3  }
0x1: {  	(tag) =	ssettag $0x0;
	lr =	simm.s32 $0x1  }
0x2: {  	[smem:$0x3F9D] =	sst lr;
	_ =	strace $0xD0000000  }
0x3: {  	_ = 	snop  }
0x4: {  	_ = 	snop  }
0x5: {  	_ = 	snop  }
0x6: {  	_ = 	snop  }
0x7: {  	_ = 	snop  }
__scs_overlays_trampoline_lowered:
0x8: {  	[smem:$0x3FAC] =	sst s0  }
0x9: {  	[smem:$0x3FAD] =	sst s1  }
0xa: {  	[smem:$0x3FAE] =	sst s2  }
0xb: {  	[smem:$0x3FAF] =	sst s3  }
0xc: {  	[smem:$0x3FB0] =	sst s4  }
0xd: {  	[smem:$0x3FB1] =	sst s5  }
0xe: {  	[smem:$0x3FB2] =	sst s6  }
0xf: {  	[smem:$0x3FB3] =	sst s7  }
0x10: {  	[smem:$0x3FB4] =	sst s8  }
0x11: {  	[smem:$0x3FB5] =	sst s9;
	s0 =	simm.s32 @!p0 $0x0  }
0x12: {  	s1 =	sld [smem:$0x3F9B];
	s0 =	simm.s32 @p0 $0x1  }
0x13: {  	[smem:$0x3FB6] =	sst s0;
	s0 =	simm.s32 @!p1 $0x0  }
0x14: {  	s2 =	sld [smem:$0x3F9A];
	s0 =	simm.s32 @p1 $0x1  }
0x15: {  	[smem:$0x3FB7] =	sst s0;
	s0 =	simm.s32 @!p2 $0x0  }
0x16: {  	s3 =	sld [smem:$0x3FDB];
	s0 =	simm.s32 @p2 $0x1  }
0x17: {  	s4 =	simm.s32 $0x1BF5;
	[smem:$0x3FB9] =	sst s0  }
0x18: {  	s0 =	sld [smem:$0x3F9C];
	_ =	swait.ge [sflag:s4], $0x0  }
0x19: {  	s7 =	sld [smem:$0x3F9D]  }
0x1a: {  	s8 =	sadd.s32 $0xFFFFE003, lr  }
0x1b: {  	s9 =	sadd.s32 $0xFFFFFEF7, lr;
	s5 =	simm.s32 $0xFFFFFFFF;
	p2 =	slt.u32 s8, $0xFFFFF086  }
0x1c: {  	p1 =	slt.u32 s9, $0xF7A;
	s5 =	simm.s32 @!p2 $0x0  }
0x1d: {  	s5 =	simm.s32 @p1 $0x1;
	p0 =	seq.s32 s7, s2  }
0x1e: {  	s7 =	smul.u32 @!p0 $0xF7A, s2;
	p2 =	seq.s32 @!p0 s5, $0x0  }
0x1f: {  	s9 =	smul.u32 $0xF7A, s1;
	s8 =	simm.s32 @!p0 $0x1BF5;
	p2 =	por !p2, p0  }
0x20: {  	[sflag:s8] =	ssyncset.s32 @!p0 $0xFFFFF086;
	s6 =	sadd.s32 @!p0 s3, s7;
	s7 =	simm.s32 @!p0 $0x108  }
0x21: {  	s3 =	sadd.s32 s3, s9;
	s6 =	sadd.s32 @!p0 $0x88, s6;
	s7 =	simm.s32 @p2 $0x1082  }
0x22: {  	[simem:s7], [sflag:s8] =	dma.local @!p0 [hbm:s6], $0xF7A  }
0x23: {  	s9 =	sor.u32 $0xD0000000, s2;
	s6 =	simm.s32 $0x108;
	_ =	swait.ge @!p0 [sflag:s8], $0x0  }
0x24: {  	s3 =	sadd.s32 $0x88, s3;
	s6 =	simm.s32 @!p1 $0x1082;
	[sflag:s4] =	ssyncset.s32 $0xFFFFF086  }
0x25: {  	[simem:s6], [sflag:s4] =	dma.local [hbm:s3], $0xF7A  }
0x26: {  	[smem:$0x3F9D] =	sst s1;
	(tag) =	ssettag s2;
	_ =	strace s9  }
0x27: {  	s1 =	sld [smem:$0x3FAD]  }
0x28: {  	s2 =	sld [smem:$0x3FAE]  }
0x29: {  	s4 =	sld [smem:$0x3FB0]  }
0x2a: {  	p0 =	seq.s32 s5, $0x0;
	s5 =	sld [smem:$0x3FB1]  }
0x2b: {  	s6 =	sld [smem:$0x3FB2]  }
0x2c: {  	s7 =	sld [smem:$0x3FB3]  }
0x2d: {  	s3 =	simm.s32 $0x108;
	s8 =	sld [smem:$0x3FB4]  }
0x2e: {  	s3 =	simm.s32 @!p0 $0x1082;
	s9 =	sld [smem:$0x3FB5]  }
0x2f: {  	lr =	sadd.s32 s0, s3;
	s0 =	sld [smem:$0x3FAC]  }
0x30: {  	s3 =	sld [smem:$0x3FAF]  }
0x31: {  	[smem:$0x3FB8] =	sst s10  }
0x32: {  	s10 =	sld [smem:$0x3FB6];
	_ =	sdelay $0x3  }
0x33: {  	p0 =	seq.s32 s10, $0x1;
	s10 =	sld [smem:$0x3FB8];
	_ =	sdelay $0x3  }
0x34: {  	[smem:$0x3FB8] =	sst s10  }
0x35: {  	s10 =	sld [smem:$0x3FB7];
	_ =	sdelay $0x3  }
0x36: {  	p1 =	seq.s32 s10, $0x1;
	s10 =	sld [smem:$0x3FB8];
	_ =	sdelay $0x3  }
0x37: {  	[smem:$0x3FB8] =	sst s10  }
0x38: {  	s10 =	sld [smem:$0x3FB9]  }
0x39: {  	_ = 	snop;
	(pc) =	sbr.ind lr, $3  }
0x3a: {  	_ = 	snop  }
0x3b: {  	_ = 	snop  }
0x3c: {  	p2 =	seq.s32 s10, $0x1;
	s10 =	sld [smem:$0x3FB8]  }
0x3d: {  	_ =	shalt  }
0x3e: {  	_ =	shalt  }
0x3f: {  	_ =	shalt  }
0x40: {  	_ =	shalt  }
0x41: {  	_ =	shalt  }
0x42: {  	_ =	shalt  }
0x43: {  	_ =	shalt  }
0x44: {  	_ =	shalt  }
0x45: {  	_ =	shalt  }
0x46: {  	_ =	shalt  }
0x47: {  	_ =	shalt  }
0x48: {  	_ =	shalt  }
0x49: {  	_ =	shalt  }
0x4a: {  	_ =	shalt  }
0x4b: {  	_ =	shalt  }
0x4c: {  	_ =	shalt  }
0x4d: {  	_ =	shalt  }
0x4e: {  	_ =	shalt  }
0x4f: {  	_ =	shalt  }
0x50: {  	_ =	shalt  }
0x51: {  	_ =	shalt  }
0x52: {  	_ =	shalt  }
0x53: {  	_ =	shalt  }
0x54: {  	_ =	shalt  }
0x55: {  	_ =	shalt  }
0x56: {  	_ =	shalt  }
0x57: {  	_ =	shalt  }
0x58: {  	_ =	shalt  }
0x59: {  	_ =	shalt  }
0x5a: {  	_ =	shalt  }
0x5b: {  	_ =	shalt  }
0x5c: {  	_ =	shalt  }
0x5d: {  	_ =	shalt  }
0x5e: {  	_ =	shalt  }
0x5f: {  	_ =	shalt  }
0x60: {  	_ =	shalt  }
0x61: {  	_ =	shalt  }
0x62: {  	_ =	shalt  }
0x63: {  	_ =	shalt  }
0x64: {  	_ =	shalt  }
0x65: {  	_ =	shalt  }
0x66: {  	_ =	shalt  }
0x67: {  	_ =	shalt  }
0x68: {  	_ =	shalt  }
0x69: {  	_ =	shalt  }
0x6a: {  	_ =	shalt  }
0x6b: {  	_ =	shalt  }
0x6c: {  	_ =	shalt  }
0x6d: {  	_ =	shalt  }
0x6e: {  	_ =	shalt  }
0x6f: {  	_ =	shalt  }
0x70: {  	_ =	shalt  }
0x71: {  	_ =	shalt  }
0x72: {  	_ =	shalt  }
0x73: {  	_ =	shalt  }
0x74: {  	_ =	shalt  }
0x75: {  	_ =	shalt  }
0x76: {  	_ =	shalt  }
0x77: {  	_ =	shalt  }
0x78: {  	_ =	shalt  }
0x79: {  	_ =	shalt  }
0x7a: {  	_ =	shalt  }
0x7b: {  	_ =	shalt  }
0x7c: {  	_ =	shalt  }
0x7d: {  	_ =	shalt  }
0x7e: {  	_ =	shalt  }
0x7f: {  	_ =	shalt  }
0x80: {  	_ =	shalt  }
0x81: {  	_ =	shalt  }
0x82: {  	_ =	shalt  }
0x83: {  	_ =	shalt  }
0x84: {  	_ =	shalt  }
0x85: {  	_ =	shalt  }
0x86: {  	_ =	shalt  }
0x87: {  	_ =	shalt  }
.Lfunc_end0:
.L_simem_size_0:
called_computation_lowered:
.L_overlay_start_0:
0x88: {  	s2 =	sld [smem:$0x3FD9]  }
0x89: {  	s3 =	sld [smem:$0x3FFE];
	_ =	sdelay $0x1  }
0x8a: {  	s1 =	srdreg.scid  }
0x8b: {  	s0 =	sand.u32 $0x1, s1  }
0x8c: {  	s14 =	sshll.u32 s0, $0xA;
	s2 =	sadd.s32 s3, s2  }
0x8d: {  	s2 =	sadd.s32 s2, s14  }
0x8e: {  	[smem:$0x3FC4] =	sst s2  }
0x8f: {  	_ = 	snop  }
0x90: {  	s2 =	sld [smem:$0x3FD0];
	_ =	sdelay $0x2  }
0x91: {  	s15 =	simm.s32 $0xA;
	s4 =	simm.s32 $0x10  }
0x92: {  	[smem:s4], [sflag:s15] =	dma.local [hbm:s2], $0x1  }
0x93: {  	_ =	swait.eq [sflag:s15], $0x1  }
0x94: {  	[sflag:s15] =	ssyncset.done $0x0  }
0x95: {  	s16 =	sld [smem:$0x10];
	[sflag:s15] =	ssyncadd.s32 $0xFFFFFFFF  }
0x96: {  	s17 =	sld [smem:$0x11];
	(tm) =	ssettm $0x1  }
0x97: {  	s18 =	sld [smem:$0x3FFB];
	_ =	sdelay $0x3  }
0x98: {  	_ =	strace s18  }
0x99: {  	s4 =	sld [smem:$0x3FFC];
	_ =	sdelay $0x3  }
0x9a: {  	_ =	strace s4  }
0x9b: {  	s4 =	sld [smem:$0x3FFD];
	_ =	sdelay $0x3  }
0x9c: {  	_ =	strace s4  }
0x9d: {  	_ =	strace $0x8FFFFFFF  }
0x9e: {  	s19 =	sld [smem:$0x3FDB];
	_ =	sdelay $0x1  }
0x9f: {  	s5 =	simm.s32 $_scs_section_size  }
0xa0: {  	s6 =	simm.s32 $_size__tile_overlayer_lowered;
	s7 =	simm.s32 $_tile_overlayer_lowered  }
0xa1: {  	s22 =	simm.s32 $0x1BFF;
	s21 =	sshll.u32 s7, $0x1;
	s4 =	sadd.s32 s5, s19  }
0xa2: {  	s8 =	simm.s32 $0x0;
	s20 =	sshll.u32 s6, $0x1;
	s6 =	sadd.s32 s21, s4  }
0xa3: {  	[timem:s8], [sflag:s22] =	dma.local [hbm:s6], s20  }
0xa4: {  	_ =	swait.ge [sflag:s22], s20  }
0xa5: {  	s5 =	ssub.s32 $0x0, s20;
	[sflag:s22] =	ssyncset.done $0x0  }
0xa6: {  	[sflag:s22] =	ssyncadd.s32 s5;
	_ =	sdelay $0x1  }
0xa7: {  	s23 =	simm.s32 $0x1B8B  }
0xa8: {  	_ =	swait.ge [sflag:s23], $0x1  }
0xa9: {  	[sflag:s23] =	ssyncset.done $0x0  }
0xaa: {  	s25 =	simm.s32 $0x1B8E;
	s24 =	sld [smem:$0x3FFE];
	[sflag:s23] =	ssyncadd.s32 $0xFFFFFFFF  }
0xab: {  	s26 =	simm.s32 $execute0_lowered;
	[smem:$0x3FD2] =	sst s25  }
0xac: {  	s6 =	sshll.u32 s26, $0x1;
	_ =	strace $0x80000046;
	[dreg:$0x1] =	wrdreg $0xFFFFFFFF  }
0xad: {  	s28 =	simm.s32 $_size_execute0_lowered;
	s4 =	sadd.s32 s4, s6;
	[dreg:$0x0] =	wrdreg $0x0  }
0xae: {  	s6 =	sshll.u32 s28, $0x1;
	[dreg:$0x2] =	wrdreg s4  }
0xaf: {  	[dreg:$0x3] =	wrdreg s6  }
0xb0: {  	[dreg:$0x4] =	wrdreg $0xC0  }
0xb1: {  	_ =	task [dreg:s8], $0x5FFFF  }
0xb2: {  	[dreg:$0x1] =	wrdreg $0xFFFFFFFF  }
0xb3: {  	[dreg:$0x0] =	wrdreg $0x60  }
0xb4: {  	[dreg:$0x2] =	wrdreg s24  }
0xb5: {  	[dreg:$0x3] =	wrdreg s17  }
0xb6: {  	[dreg:$0x4] =	wrdreg s16  }
0xb7: {  	[dreg:$0x5] =	wrdreg $0x9  }
0xb8: {  	_ =	task.clear_ibuf [dreg:s8], $0x6FFFF;
	_ =	strace $0x90000046  }
0xb9: {  	s29 =	simm.s32 $0x9;
	_ =	strace $0x80000048  }
0xba: {  	_ =	swait.ge [sflag:s29], $0x1  }
0xbb: {  	[sflag:s29] =	ssyncadd.s32 $0xFFFFFFFF  }
0xbc: {  	_ =	strace $0x90000048  }
0xbd: {  	_ =	sfence  }
0xbe: {  	s30 =	sld [smem:$0x0];
	_ =	sdelay $0x2  }
0xbf: {  	s31 =	sshll.u32 s1, $0xD;
	s1 =	sshrl.u32 s1, $0x2  }
0xc0: {  	s3 =	sand.u32 $0x4000, s31;
	s1 =	sadd.s32 s1, s30  }
0xc1: {  	s0 =	sor.u32 s3, s0;
	s1 =	sshll.u32 s1, $0x11  }
0xc2: {  	s0 =	sor.u32 s1, s0  }
0xc3: {  	s0 =	sadd.s32 $0x8F2B, s0  }
0xc4: {  	[sflag:s0] =	ssyncadd.remote.s32 $0x1  }
0xc5: {  	_ =	sfence.sel $0xFFFF  }
0xc6: {  	[dreg:$0x0] =	wrdreg $0xFFFFFFFF;
	(pc) =	sbr.abs _section_cstart, $3  }
0xc7: {  	[dreg:$0x1] =	wrdreg $0xFFFFFFFF  }
0xc8: {  	_ =	task.clear_ibuf [dreg:s8], $0x2FFFF;
	_ =	strace $0x9FFFFFFF  }
0xc9: {  	(tm) =	ssettm $0x7FFFFFFF  }
tec
execute0_lowered:
.L_overlay_start_1:
0x0: {  	(tag) =	ssettag $0x1  }
0x1: {  	s4 =	stileid.u32  }
0x2: {  	p0 =	sne.s32 s4, $0x0  }
.Ltmp0:
0x3: {  	s1 =	rddreg [dreg:$0x0];
	(pc) =	sbr.rel @p0 .LBB2_4-.Ltmp0, $4  }
0x4: {  	s3 =	rddreg [dreg:$0x1]  }
0x5: {  	s8 =	rddreg [dreg:$0x2];
	s2 =	simm.s32 $0x0  }
0x6: {  	[smem:$0x7FF] =	sst s2  }
0x7: {  	s0 =	rddreg [dreg:$0x3];
	_ =	strace $0x80000047  }
0x8: {  	s4 =	srdreg.scid  }
0x9: {  	s9 =	sand.u32 $0x1, s4  }
0xa: {  	s4 =	sadd.s32 s3, s9;
	s3 =	simm.s32 $0x2;
	s10 =	ssub.s32 $0x2, s9  }
0xb: {  	[tilespmem:s2], [sflag:$0x2] =	stream.linear.gather [hbm4b:s4+s2], $0x8, $0x38;
	[tilespmem:$0x480] =	vst v63  }
0xc: {  	s5 =	simm.s32 $0x8;
	s11 =	sshrl.u32 s10, $0x1;
	_ =	swait.ge [sflag:s3], $0x8  }
0xd: {  	s6 =	simm.s32 $0x80;
	s10 =	ssub.s32 s10, s11;
	[sflag:s3] =	ssyncset.done $0x0  }
0xe: {  	s7 =	simm.s32 $0x1;
	s31 =	smax.u32 s10, $0x1;
	[sflag:s3] =	ssyncadd.s32 $0xFFFFFFF8  }
0xf: {  	[tilespmem:s6], [sflag:$0x1] =	stream.indirect.gather [hbm4b:s1+s5], $0x80, s2, s5, $0xb8;
	[tilespmem:$0x480] =	vst v63  }
0x10: {  	p1 =	sne.s32 s31, $0x1;
	_ =	swait.ge [sflag:s7], $0x400  }
.Ltmp1:
0x11: {  	s9 =	sshll.u32 s9, $0x7;
	[sflag:s7] =	ssyncset.done $0x0;
	(pc) =	sbr.rel @!p1 .LBB2_3-.Ltmp1, $4  }
0x12: {  	s8 =	sadd.s32 s8, s9;
	[sflag:s7] =	ssyncadd.s32 $0xFFFFFC00  }
0x13: {  	[hbm4b:s8+s2] =	stream.linear.scatter [tilespmem:s6], [sflag:$0x2], $0x400, $0x38;
	[tilespmem:$0x480] =	vst v63  }
0x14: {  	_ =	swait.ge [sflag:s3], $0x400  }
0x15: {  	s9 =	sadd.s32 $0xFFFFFFFF, s31;
	[sflag:s3] =	ssyncset.done $0x0  }
.LBB2_2:
0x16: {  	p1 =	sne.s32 s9, $0x1;
	s9 =	sadd.s32 $0xFFFFFFFF, s9;
	[sflag:s3] =	ssyncadd.s32 $0xFFFFFC00  }
0x17: {  	[tilespmem:s2], [sflag:$0x2] =	stream.linear.gather [hbm4b:s4+s2], $0x8, $0x38;
	[tilespmem:$0x480] =	vst v63  }
0x18: {  	_ =	swait.ge [sflag:s3], $0x8  }
0x19: {  	[sflag:s3] =	ssyncset.done $0x0  }
0x1a: {  	[sflag:s3] =	ssyncadd.s32 $0xFFFFFFF8  }
0x1b: {  	[tilespmem:s6], [sflag:$0x1] =	stream.indirect.gather [hbm4b:s1+s5], $0x80, s2, s5, $0xb8;
	[tilespmem:$0x480] =	vst v63  }
0x1c: {  	_ =	swait.ge [sflag:s7], $0x400  }
.Ltmp2:
0x1d: {  	[sflag:s7] =	ssyncset.done $0x0;
	(pc) =	sbr.rel @p1 .LBB2_2-.Ltmp2, $4  }
0x1e: {  	[sflag:s7] =	ssyncadd.s32 $0xFFFFFC00  }
0x1f: {  	[hbm4b:s8+s2] =	stream.linear.scatter [tilespmem:s6], [sflag:$0x2], $0x400, $0x38;
	[tilespmem:$0x480] =	vst v63  }
0x20: {  	_ =	swait.ge [sflag:s3], $0x400  }
0x21: {  	[sflag:s3] =	ssyncset.done $0x0  }
.LBB2_3:
0x22: {  	[sflag:s3] =	ssyncadd.s32 $0xFFFFFC00  }
.LBB2_4:
0x23: {  	_ =	sfence.sel $0x180000  }
0x24: {  	[bflag:$0x0] =	sbarrier.arrive $0xFFFF  }
0x25: {  	_ =	strace $0x90000047  }
0x26: {  	s0 =	sadd.s32 @!p0 $0x100000, s0;
	[bflag:$0x2] =	sbarrier.arrive $0xFFFF  }
0x27: {  	[sflag:s0] =	ssyncadd.tile.s32 @!p0 $0x1;
	_ =	shalt  }
.Lfunc_end2:
_tile_overlayer_lowered:
.L_overlay_start_2:
0x28: {  	(tag) =	ssettag $0x2  }
0x29: {  	s0 =	rddreg [dreg:$0x0];
	s2 =	stileid.u32  }
0x2a: {  	s1 =	rddreg [dreg:$0x1];
	p0 =	sne.s32 s2, $0x0  }
0x2b: {  	s3 =	rddreg [dreg:$0x2];
	[bflag:$0x3] =	sbarrier.arrive $0xFFFF;
	s2 =	simm.s32 @!p0 $0x1C02  }
0x2c: {  	[timem:s3], [sflag:s2] =	dma.local @!p0 [hbm:s0], s1  }
0x2d: {  	s0 =	simm.s32 @!p0 $0x2  }
0x2e: {  	_ =	swait.ge @!p0 [sflag:s0], s1  }
0x2f: {  	s1 =	ssub.s32 @!p0 $0x0, s1;
	[sflag:s0] =	ssyncset.done @!p0 $0x0  }
0x30: {  	[sflag:s0] =	ssyncadd.s32 @!p0 s1  }
0x31: {  	[bflag:$0x3] =	sbarrier.arrive $0xFFFF  }
0x32: {  	_ =	shalt  }

// kernel: kernel.17.cloned.1.call-start
scs
__scs_entry_jumppad:
0x0: {  	(pc) =	sbr.rel $0x88, $3  }
0x1: {  	(tag) =	ssettag $0x0;
	lr =	simm.s32 $0x1  }
0x2: {  	[smem:$0x3F9D] =	sst lr;
	_ =	strace $0xD0000000  }
0x3: {  	_ = 	snop  }
0x4: {  	_ = 	snop  }
0x5: {  	_ = 	snop  }
0x6: {  	_ = 	snop  }
0x7: {  	_ = 	snop  }
__scs_overlays_trampoline_lowered:
0x8: {  	[smem:$0x3FAC] =	sst s0  }
0x9: {  	[smem:$0x3FAD] =	sst s1  }
0xa: {  	[smem:$0x3FAE] =	sst s2  }
0xb: {  	[smem:$0x3FAF] =	sst s3  }
0xc: {  	[smem:$0x3FB0] =	sst s4  }
0xd: {  	[smem:$0x3FB1] =	sst s5  }
0xe: {  	[smem:$0x3FB2] =	sst s6  }
0xf: {  	[smem:$0x3FB3] =	sst s7  }
0x10: {  	[smem:$0x3FB4] =	sst s8  }
0x11: {  	[smem:$0x3FB5] =	sst s9;
	s0 =	simm.s32 @!p0 $0x0  }
0x12: {  	s1 =	sld [smem:$0x3F9B];
	s0 =	simm.s32 @p0 $0x1  }
0x13: {  	[smem:$0x3FB6] =	sst s0;
	s0 =	simm.s32 @!p1 $0x0  }
0x14: {  	s2 =	sld [smem:$0x3F9A];
	s0 =	simm.s32 @p1 $0x1  }
0x15: {  	[smem:$0x3FB7] =	sst s0;
	s0 =	simm.s32 @!p2 $0x0  }
0x16: {  	s3 =	sld [smem:$0x3FDB];
	s0 =	simm.s32 @p2 $0x1  }
0x17: {  	s4 =	simm.s32 $0x1BF5;
	[smem:$0x3FB9] =	sst s0  }
0x18: {  	s0 =	sld [smem:$0x3F9C];
	_ =	swait.ge [sflag:s4], $0x0  }
0x19: {  	s7 =	sld [smem:$0x3F9D]  }
0x1a: {  	s8 =	sadd.s32 $0xFFFFE003, lr  }
0x1b: {  	s9 =	sadd.s32 $0xFFFFFEF7, lr;
	s5 =	simm.s32 $0xFFFFFFFF;
	p2 =	slt.u32 s8, $0xFFFFF086  }
0x1c: {  	p1 =	slt.u32 s9, $0xF7A;
	s5 =	simm.s32 @!p2 $0x0  }
0x1d: {  	s5 =	simm.s32 @p1 $0x1;
	p0 =	seq.s32 s7, s2  }
0x1e: {  	s7 =	smul.u32 @!p0 $0xF7A, s2;
	p2 =	seq.s32 @!p0 s5, $0x0  }
0x1f: {  	s9 =	smul.u32 $0xF7A, s1;
	s8 =	simm.s32 @!p0 $0x1BF5;
	p2 =	por !p2, p0  }
0x20: {  	[sflag:s8] =	ssyncset.s32 @!p0 $0xFFFFF086;
	s6 =	sadd.s32 @!p0 s3, s7;
	s7 =	simm.s32 @!p0 $0x108  }
0x21: {  	s3 =	sadd.s32 s3, s9;
	s6 =	sadd.s32 @!p0 $0x88, s6;
	s7 =	simm.s32 @p2 $0x1082  }
0x22: {  	[simem:s7], [sflag:s8] =	dma.local @!p0 [hbm:s6], $0xF7A  }
0x23: {  	s9 =	sor.u32 $0xD0000000, s2;
	s6 =	simm.s32 $0x108;
	_ =	swait.ge @!p0 [sflag:s8], $0x0  }
0x24: {  	s3 =	sadd.s32 $0x88, s3;
	s6 =	simm.s32 @!p1 $0x1082;
	[sflag:s4] =	ssyncset.s32 $0xFFFFF086  }
0x25: {  	[simem:s6], [sflag:s4] =	dma.local [hbm:s3], $0xF7A  }
0x26: {  	[smem:$0x3F9D] =	sst s1;
	(tag) =	ssettag s2;
	_ =	strace s9  }
0x27: {  	s1 =	sld [smem:$0x3FAD]  }
0x28: {  	s2 =	sld [smem:$0x3FAE]  }
0x29: {  	s4 =	sld [smem:$0x3FB0]  }
0x2a: {  	p0 =	seq.s32 s5, $0x0;
	s5 =	sld [smem:$0x3FB1]  }
0x2b: {  	s6 =	sld [smem:$0x3FB2]  }
0x2c: {  	s7 =	sld [smem:$0x3FB3]  }
0x2d: {  	s3 =	simm.s32 $0x108;
	s8 =	sld [smem:$0x3FB4]  }
0x2e: {  	s3 =	simm.s32 @!p0 $0x1082;
	s9 =	sld [smem:$0x3FB5]  }
0x2f: {  	lr =	sadd.s32 s0, s3;
	s0 =	sld [smem:$0x3FAC]  }
0x30: {  	s3 =	sld [smem:$0x3FAF]  }
0x31: {  	[smem:$0x3FB8] =	sst s10  }
0x32: {  	s10 =	sld [smem:$0x3FB6];
	_ =	sdelay $0x3  }
0x33: {  	p0 =	seq.s32 s10, $0x1;
	s10 =	sld [smem:$0x3FB8];
	_ =	sdelay $0x3  }
0x34: {  	[smem:$0x3FB8] =	sst s10  }
0x35: {  	s10 =	sld [smem:$0x3FB7];
	_ =	sdelay $0x3  }
0x36: {  	p1 =	seq.s32 s10, $0x1;
	s10 =	sld [smem:$0x3FB8];
	_ =	sdelay $0x3  }
0x37: {  	[smem:$0x3FB8] =	sst s10  }
0x38: {  	s10 =	sld [smem:$0x3FB9]  }
0x39: {  	_ = 	snop;
	(pc) =	sbr.ind lr, $3  }
0x3a: {  	_ = 	snop  }
0x3b: {  	_ = 	snop  }
0x3c: {  	p2 =	seq.s32 s10, $0x1;
	s10 =	sld [smem:$0x3FB8]  }
0x3d: {  	_ =	shalt  }
0x3e: {  	_ =	shalt  }
0x3f: {  	_ =	shalt  }
0x40: {  	_ =	shalt  }
0x41: {  	_ =	shalt  }
0x42: {  	_ =	shalt  }
0x43: {  	_ =	shalt  }
0x44: {  	_ =	shalt  }
0x45: {  	_ =	shalt  }
0x46: {  	_ =	shalt  }
0x47: {  	_ =	shalt  }
0x48: {  	_ =	shalt  }
0x49: {  	_ =	shalt  }
0x4a: {  	_ =	shalt  }
0x4b: {  	_ =	shalt  }
0x4c: {  	_ =	shalt  }
0x4d: {  	_ =	shalt  }
0x4e: {  	_ =	shalt  }
0x4f: {  	_ =	shalt  }
0x50: {  	_ =	shalt  }
0x51: {  	_ =	shalt  }
0x52: {  	_ =	shalt  }
0x53: {  	_ =	shalt  }
0x54: {  	_ =	shalt  }
0x55: {  	_ =	shalt  }
0x56: {  	_ =	shalt  }
0x57: {  	_ =	shalt  }
0x58: {  	_ =	shalt  }
0x59: {  	_ =	shalt  }
0x5a: {  	_ =	shalt  }
0x5b: {  	_ =	shalt  }
0x5c: {  	_ =	shalt  }
0x5d: {  	_ =	shalt  }
0x5e: {  	_ =	shalt  }
0x5f: {  	_ =	shalt  }
0x60: {  	_ =	shalt  }
0x61: {  	_ =	shalt  }
0x62: {  	_ =	shalt  }
0x63: {  	_ =	shalt  }
0x64: {  	_ =	shalt  }
0x65: {  	_ =	shalt  }
0x66: {  	_ =	shalt  }
0x67: {  	_ =	shalt  }
0x68: {  	_ =	shalt  }
0x69: {  	_ =	shalt  }
0x6a: {  	_ =	shalt  }
0x6b: {  	_ =	shalt  }
0x6c: {  	_ =	shalt  }
0x6d: {  	_ =	shalt  }
0x6e: {  	_ =	shalt  }
0x6f: {  	_ =	shalt  }
0x70: {  	_ =	shalt  }
0x71: {  	_ =	shalt  }
0x72: {  	_ =	shalt  }
0x73: {  	_ =	shalt  }
0x74: {  	_ =	shalt  }
0x75: {  	_ =	shalt  }
0x76: {  	_ =	shalt  }
0x77: {  	_ =	shalt  }
0x78: {  	_ =	shalt  }
0x79: {  	_ =	shalt  }
0x7a: {  	_ =	shalt  }
0x7b: {  	_ =	shalt  }
0x7c: {  	_ =	shalt  }
0x7d: {  	_ =	shalt  }
0x7e: {  	_ =	shalt  }
0x7f: {  	_ =	shalt  }
0x80: {  	_ =	shalt  }
0x81: {  	_ =	shalt  }
0x82: {  	_ =	shalt  }
0x83: {  	_ =	shalt  }
0x84: {  	_ =	shalt  }
0x85: {  	_ =	shalt  }
0x86: {  	_ =	shalt  }
0x87: {  	_ =	shalt  }
.Lfunc_end0:
.L_simem_size_0:
called_computation.1_lowered:
.L_overlay_start_0:
0x88: {  	s2 =	sld [smem:$0x3FD9]  }
0x89: {  	s3 =	sld [smem:$0x3FFE];
	_ =	sdelay $0x1  }
0x8a: {  	s1 =	srdreg.scid  }
0x8b: {  	s0 =	sand.u32 $0x1, s1  }
0x8c: {  	s14 =	sshll.u32 s0, $0xA;
	s2 =	sadd.s32 s3, s2  }
0x8d: {  	s2 =	sadd.s32 s2, s14  }
0x8e: {  	[smem:$0x3FC4] =	sst s2  }
0x8f: {  	_ = 	snop  }
0x90: {  	s2 =	sld [smem:$0x3FD0];
	_ =	sdelay $0x2  }
0x91: {  	s15 =	simm.s32 $0xA;
	s4 =	simm.s32 $0x10  }
0x92: {  	[smem:s4], [sflag:s15] =	dma.local [hbm:s2], $0x1  }
0x93: {  	_ =	swait.eq [sflag:s15], $0x1  }
0x94: {  	[sflag:s15] =	ssyncset.done $0x0  }
0x95: {  	[sflag:s15] =	ssyncadd.s32 $0xFFFFFFFF  }
0x96: {  	s16 =	sld [smem:$0x10];
	(tm) =	ssettm $0x1  }
0x97: {  	s17 =	sld [smem:$0x3FFB];
	_ =	sdelay $0x3  }
0x98: {  	_ =	strace s17  }
0x99: {  	s3 =	sld [smem:$0x3FFC];
	_ =	sdelay $0x3  }
0x9a: {  	_ =	strace s3  }
0x9b: {  	s3 =	sld [smem:$0x3FFD];
	_ =	sdelay $0x3  }
0x9c: {  	_ =	strace s3  }
0x9d: {  	_ =	strace $0x8FFFFFFF  }
0x9e: {  	s18 =	sld [smem:$0x3FDB];
	_ =	sdelay $0x1  }
0x9f: {  	s19 =	simm.s32 $_scs_section_size  }
0xa0: {  	s5 =	simm.s32 $_size__tile_overlayer_lowered;
	s6 =	simm.s32 $_tile_overlayer_lowered  }
0xa1: {  	s22 =	simm.s32 $0x1BFF;
	s21 =	sshll.u32 s6, $0x1;
	s3 =	sadd.s32 s19, s18  }
0xa2: {  	s7 =	simm.s32 $0x0;
	s20 =	sshll.u32 s5, $0x1;
	s5 =	sadd.s32 s21, s3  }
0xa3: {  	[timem:s7], [sflag:s22] =	dma.local [hbm:s5], s20  }
0xa4: {  	_ =	swait.ge [sflag:s22], s20  }
0xa5: {  	s4 =	ssub.s32 $0x0, s20;
	[sflag:s22] =	ssyncset.done $0x0  }
0xa6: {  	[sflag:s22] =	ssyncadd.s32 s4;
	_ =	sdelay $0x1  }
0xa7: {  	s23 =	simm.s32 $0x1B8B  }
0xa8: {  	_ =	swait.ge [sflag:s23], $0x1  }
0xa9: {  	[sflag:s23] =	ssyncset.done $0x0  }
0xaa: {  	s25 =	simm.s32 $0x1B8E;
	s24 =	sld [smem:$0x3FFE];
	[sflag:s23] =	ssyncadd.s32 $0xFFFFFFFF  }
0xab: {  	s26 =	simm.s32 $execute0_lowered;
	[smem:$0x3FD2] =	sst s25  }
0xac: {  	s5 =	sshll.u32 s26, $0x1;
	_ =	strace $0x80000049;
	[dreg:$0x1] =	wrdreg $0xFFFFFFFF  }
0xad: {  	s28 =	simm.s32 $_size_execute0_lowered;
	s3 =	sadd.s32 s3, s5;
	[dreg:$0x0] =	wrdreg $0x0  }
0xae: {  	s5 =	sshll.u32 s28, $0x1;
	[dreg:$0x2] =	wrdreg s3  }
0xaf: {  	[dreg:$0x3] =	wrdreg s5  }
0xb0: {  	[dreg:$0x4] =	wrdreg $0xC0  }
0xb1: {  	_ =	task [dreg:s7], $0x5FFFF  }
0xb2: {  	[dreg:$0x1] =	wrdreg $0xFFFFFFFF  }
0xb3: {  	[dreg:$0x0] =	wrdreg $0x60  }
0xb4: {  	[dreg:$0x2] =	wrdreg s24  }
0xb5: {  	[dreg:$0x3] =	wrdreg s16  }
0xb6: {  	[dreg:$0x4] =	wrdreg $0x9  }
0xb7: {  	_ =	task.clear_ibuf [dreg:s7], $0x5FFFF;
	_ =	strace $0x90000049  }
0xb8: {  	s29 =	simm.s32 $0x9;
	_ =	strace $0x8000004B  }
0xb9: {  	_ =	swait.ge [sflag:s29], $0x1  }
0xba: {  	[sflag:s29] =	ssyncadd.s32 $0xFFFFFFFF  }
0xbb: {  	_ =	strace $0x9000004B  }
0xbc: {  	_ =	sfence  }
0xbd: {  	s30 =	sld [smem:$0x0];
	_ =	sdelay $0x2  }
0xbe: {  	s31 =	sshll.u32 s1, $0xD;
	s1 =	sshrl.u32 s1, $0x2  }
0xbf: {  	s3 =	sand.u32 $0x4000, s31;
	s1 =	sadd.s32 s1, s30  }
0xc0: {  	s0 =	sor.u32 s3, s0;
	s1 =	sshll.u32 s1, $0x11  }
0xc1: {  	s0 =	sor.u32 s1, s0  }
0xc2: {  	s0 =	sadd.s32 $0x8F2B, s0  }
0xc3: {  	[sflag:s0] =	ssyncadd.remote.s32 $0x1  }
0xc4: {  	_ =	sfence.sel $0xFFFF  }
0xc5: {  	[dreg:$0x0] =	wrdreg $0xFFFFFFFF;
	(pc) =	sbr.abs _section_cstart, $3  }
0xc6: {  	[dreg:$0x1] =	wrdreg $0xFFFFFFFF  }
0xc7: {  	_ =	task.clear_ibuf [dreg:s7], $0x2FFFF;
	_ =	strace $0x9FFFFFFF  }
0xc8: {  	(tm) =	ssettm $0x7FFFFFFF  }
0xc9: {  	_ =	shalt  }
tec
execute0_lowered:
.L_overlay_start_1:
0x0: {  	(tag) =	ssettag $0x1  }
0x1: {  	s1 =	stileid.u32  }
0x2: {  	p0 =	sgt.u32 s1, $0x3  }
.Ltmp0:
0x3: {  	_ = 	snop;
	(pc) =	sbr.rel @p0 .LBB2_4-.Ltmp0, $4  }
0x4: {  	s2 =	rddreg [dreg:$0x0]  }
0x5: {  	s9 =	rddreg [dreg:$0x1];
	s3 =	simm.s32 $0x0  }
0x6: {  	[smem:$0x7FF] =	sst s3  }
0x7: {  	s0 =	rddreg [dreg:$0x2];
	_ =	strace $0x8000004A  }
0x8: {  	s4 =	srdreg.scid  }
0x9: {  	s30 =	sshll.u32 s1, $0x1;
	s6 =	sand.u32 $0x1, s4  }
0xa: {  	s5 =	sadd.s32 $0x20000, s2;
	s10 =	sor.u32 s6, s30  }
0xb: {  	s4 =	simm.s32 $0x2;
	s11 =	ssub.s32 $0x2, s6;
	s5 =	sadd.s32 s5, s10  }
0xc: {  	[tilespmem:s3], [sflag:$0x2] =	stream.linear.gather [hbm4b:s5+s3], $0x8, $0x38;
	[tilespmem:$0x480] =	vst v63  }
0xd: {  	s7 =	simm.s32 $0x80;
	s12 =	sshrl.u32 s11, $0x1;
	_ =	swait.ge [sflag:s4], $0x8  }
0xe: {  	s8 =	simm.s32 $0x1;
	s11 =	ssub.s32 s11, s12;
	[sflag:s4] =	ssyncset.done $0x0  }
0xf: {  	s6 =	simm.s32 $0x8;
	s31 =	smax.u32 s11, $0x1;
	[sflag:s4] =	ssyncadd.s32 $0xFFFFFFF8  }
0x10: {  	[tilespmem:s7], [sflag:$0x1] =	stream.indirect.gather [hbm4b:s2+s6], $0x80, s3, s6, $0xb8;
	[tilespmem:$0x480] =	vst v63  }
0x11: {  	p0 =	sne.s32 s31, $0x1;
	_ =	swait.ge [sflag:s8], $0x400  }
.Ltmp1:
0x12: {  	s10 =	sshll.u32 s10, $0x7;
	[sflag:s8] =	ssyncset.done $0x0;
	(pc) =	sbr.rel @!p0 .LBB2_3-.Ltmp1, $4  }
0x13: {  	s9 =	sadd.s32 s9, s10;
	[sflag:s8] =	ssyncadd.s32 $0xFFFFFC00  }
0x14: {  	[hbm4b:s9+s3] =	stream.linear.scatter [tilespmem:s7], [sflag:$0x2], $0x400, $0x38;
	[tilespmem:$0x480] =	vst v63  }
0x15: {  	_ =	swait.ge [sflag:s4], $0x400  }
0x16: {  	s10 =	sadd.s32 $0xFFFFFFFF, s31;
	[sflag:s4] =	ssyncset.done $0x0  }
.LBB2_2:
0x17: {  	p0 =	sne.s32 s10, $0x1;
	s10 =	sadd.s32 $0xFFFFFFFF, s10;
	[sflag:s4] =	ssyncadd.s32 $0xFFFFFC00  }
0x18: {  	[tilespmem:s3], [sflag:$0x2] =	stream.linear.gather [hbm4b:s5+s3], $0x8, $0x38;
	[tilespmem:$0x480] =	vst v63  }
0x19: {  	_ =	swait.ge [sflag:s4], $0x8  }
0x1a: {  	[sflag:s4] =	ssyncset.done $0x0  }
0x1b: {  	[sflag:s4] =	ssyncadd.s32 $0xFFFFFFF8  }
0x1c: {  	[tilespmem:s7], [sflag:$0x1] =	stream.indirect.gather [hbm4b:s2+s6], $0x80, s3, s6, $0xb8;
	[tilespmem:$0x480] =	vst v63  }
0x1d: {  	_ =	swait.ge [sflag:s8], $0x400  }
.Ltmp2:
0x1e: {  	[sflag:s8] =	ssyncset.done $0x0;
	(pc) =	sbr.rel @p0 .LBB2_2-.Ltmp2, $4  }
0x1f: {  	[sflag:s8] =	ssyncadd.s32 $0xFFFFFC00  }
0x20: {  	[hbm4b:s9+s3] =	stream.linear.scatter [tilespmem:s7], [sflag:$0x2], $0x400, $0x38;
	[tilespmem:$0x480] =	vst v63  }
0x21: {  	_ =	swait.ge [sflag:s4], $0x400  }
0x22: {  	[sflag:s4] =	ssyncset.done $0x0  }
.LBB2_3:
0x23: {  	[sflag:s4] =	ssyncadd.s32 $0xFFFFFC00  }
.LBB2_4:
0x24: {  	_ =	sfence.sel $0x180000  }
0x25: {  	[bflag:$0x0] =	sbarrier.arrive $0xFFFF  }
0x26: {  	p0 =	sne.s32 s1, $0x0;
	_ =	strace $0x9000004A  }
0x27: {  	s0 =	sadd.s32 @!p0 $0x100000, s0;
	[bflag:$0x2] =	sbarrier.arrive $0xFFFF  }
0x28: {  	[sflag:s0] =	ssyncadd.tile.s32 @!p0 $0x1;
	_ =	shalt  }
.Lfunc_end2:
_tile_overlayer_lowered:
.L_overlay_start_2:
0x29: {  	(tag) =	ssettag $0x2  }
0x2a: {  	s0 =	rddreg [dreg:$0x0];
	s2 =	stileid.u32  }
0x2b: {  	s1 =	rddreg [dreg:$0x1];
	p0 =	sne.s32 s2, $0x0  }
0x2c: {  	s3 =	rddreg [dreg:$0x2];
	[bflag:$0x3] =	sbarrier.arrive $0xFFFF;
	s2 =	simm.s32 @!p0 $0x1C02  }
0x2d: {  	[timem:s3], [sflag:s2] =	dma.local @!p0 [hbm:s0], s1  }
0x2e: {  	s0 =	simm.s32 @!p0 $0x2  }
0x2f: {  	_ =	swait.ge @!p0 [sflag:s0], s1  }
0x30: {  	s1 =	ssub.s32 @!p0 $0x0, s1;
	[sflag:s0] =	ssyncset.done @!p0 $0x0  }
0x31: {  	[sflag:s0] =	ssyncadd.s32 @!p0 s1  }
0x32: {  	[bflag:$0x3] =	sbarrier.arrive $0xFFFF  }
0x33: {  	_ =	shalt  }

// kernel: kernel.20.cloned.1.call-start
scs
__scs_entry_jumppad:
0x0: {  	(pc) =	sbr.rel $0x88, $3  }
0x1: {  	(tag) =	ssettag $0x0;
	lr =	simm.s32 $0x1  }
0x2: {  	[smem:$0x3F9D] =	sst lr;
	_ =	strace $0xD0000000  }
0x3: {  	_ = 	snop  }
0x4: {  	_ = 	snop  }
0x5: {  	_ = 	snop  }
0x6: {  	_ = 	snop  }
0x7: {  	_ = 	snop  }
__scs_overlays_trampoline_lowered:
0x8: {  	[smem:$0x3FAC] =	sst s0  }
0x9: {  	[smem:$0x3FAD] =	sst s1  }
0xa: {  	[smem:$0x3FAE] =	sst s2  }
0xb: {  	[smem:$0x3FAF] =	sst s3  }
0xc: {  	[smem:$0x3FB0] =	sst s4  }
0xd: {  	[smem:$0x3FB1] =	sst s5  }
0xe: {  	[smem:$0x3FB2] =	sst s6  }
0xf: {  	[smem:$0x3FB3] =	sst s7  }
0x10: {  	[smem:$0x3FB4] =	sst s8  }
0x11: {  	[smem:$0x3FB5] =	sst s9;
	s0 =	simm.s32 @!p0 $0x0  }
0x12: {  	s1 =	sld [smem:$0x3F9B];
	s0 =	simm.s32 @p0 $0x1  }
0x13: {  	[smem:$0x3FB6] =	sst s0;
	s0 =	simm.s32 @!p1 $0x0  }
0x14: {  	s2 =	sld [smem:$0x3F9A];
	s0 =	simm.s32 @p1 $0x1  }
0x15: {  	[smem:$0x3FB7] =	sst s0;
	s0 =	simm.s32 @!p2 $0x0  }
0x16: {  	s3 =	sld [smem:$0x3FDB];
	s0 =	simm.s32 @p2 $0x1  }
0x17: {  	s4 =	simm.s32 $0x1BF5;
	[smem:$0x3FB9] =	sst s0  }
0x18: {  	s0 =	sld [smem:$0x3F9C];
	_ =	swait.ge [sflag:s4], $0x0  }
0x19: {  	s7 =	sld [smem:$0x3F9D]  }
0x1a: {  	s8 =	sadd.s32 $0xFFFFE003, lr  }
0x1b: {  	s9 =	sadd.s32 $0xFFFFFEF7, lr;
	s5 =	simm.s32 $0xFFFFFFFF;
	p2 =	slt.u32 s8, $0xFFFFF086  }
0x1c: {  	p1 =	slt.u32 s9, $0xF7A;
	s5 =	simm.s32 @!p2 $0x0  }
0x1d: {  	s5 =	simm.s32 @p1 $0x1;
	p0 =	seq.s32 s7, s2  }
0x1e: {  	s7 =	smul.u32 @!p0 $0xF7A, s2;
	p2 =	seq.s32 @!p0 s5, $0x0  }
0x1f: {  	s9 =	smul.u32 $0xF7A, s1;
	s8 =	simm.s32 @!p0 $0x1BF5;
	p2 =	por !p2, p0  }
0x20: {  	[sflag:s8] =	ssyncset.s32 @!p0 $0xFFFFF086;
	s6 =	sadd.s32 @!p0 s3, s7;
	s7 =	simm.s32 @!p0 $0x108  }
0x21: {  	s3 =	sadd.s32 s3, s9;
	s6 =	sadd.s32 @!p0 $0x88, s6;
	s7 =	simm.s32 @p2 $0x1082  }
0x22: {  	[simem:s7], [sflag:s8] =	dma.local @!p0 [hbm:s6], $0xF7A  }
0x23: {  	s9 =	sor.u32 $0xD0000000, s2;
	s6 =	simm.s32 $0x108;
	_ =	swait.ge @!p0 [sflag:s8], $0x0  }
0x24: {  	s3 =	sadd.s32 $0x88, s3;
	s6 =	simm.s32 @!p1 $0x1082;
	[sflag:s4] =	ssyncset.s32 $0xFFFFF086  }
0x25: {  	[simem:s6], [sflag:s4] =	dma.local [hbm:s3], $0xF7A  }
0x26: {  	[smem:$0x3F9D] =	sst s1;
	(tag) =	ssettag s2;
	_ =	strace s9  }
0x27: {  	s1 =	sld [smem:$0x3FAD]  }
0x28: {  	s2 =	sld [smem:$0x3FAE]  }
0x29: {  	s4 =	sld [smem:$0x3FB0]  }
0x2a: {  	p0 =	seq.s32 s5, $0x0;
	s5 =	sld [smem:$0x3FB1]  }
0x2b: {  	s6 =	sld [smem:$0x3FB2]  }
0x2c: {  	s7 =	sld [smem:$0x3FB3]  }
0x2d: {  	s3 =	simm.s32 $0x108;
	s8 =	sld [smem:$0x3FB4]  }
0x2e: {  	s3 =	simm.s32 @!p0 $0x1082;
	s9 =	sld [smem:$0x3FB5]  }
0x2f: {  	lr =	sadd.s32 s0, s3;
	s0 =	sld [smem:$0x3FAC]  }
0x30: {  	s3 =	sld [smem:$0x3FAF]  }
0x31: {  	[smem:$0x3FB8] =	sst s10  }
0x32: {  	s10 =	sld [smem:$0x3FB6];
	_ =	sdelay $0x3  }
0x33: {  	p0 =	seq.s32 s10, $0x1;
	s10 =	sld [smem:$0x3FB8];
	_ =	sdelay $0x3  }
0x34: {  	[smem:$0x3FB8] =	sst s10  }
0x35: {  	s10 =	sld [smem:$0x3FB7];
	_ =	sdelay $0x3  }
0x36: {  	p1 =	seq.s32 s10, $0x1;
	s10 =	sld [smem:$0x3FB8];
	_ =	sdelay $0x3  }
0x37: {  	[smem:$0x3FB8] =	sst s10  }
0x38: {  	s10 =	sld [smem:$0x3FB9]  }
0x39: {  	_ = 	snop;
	(pc) =	sbr.ind lr, $3  }
0x3a: {  	_ = 	snop  }
0x3b: {  	_ = 	snop  }
0x3c: {  	p2 =	seq.s32 s10, $0x1;
	s10 =	sld [smem:$0x3FB8]  }
0x3d: {  	_ =	shalt  }
0x3e: {  	_ =	shalt  }
0x3f: {  	_ =	shalt  }
0x40: {  	_ =	shalt  }
0x41: {  	_ =	shalt  }
0x42: {  	_ =	shalt  }
0x43: {  	_ =	shalt  }
0x44: {  	_ =	shalt  }
0x45: {  	_ =	shalt  }
0x46: {  	_ =	shalt  }
0x47: {  	_ =	shalt  }
0x48: {  	_ =	shalt  }
0x49: {  	_ =	shalt  }
0x4a: {  	_ =	shalt  }
0x4b: {  	_ =	shalt  }
0x4c: {  	_ =	shalt  }
0x4d: {  	_ =	shalt  }
0x4e: {  	_ =	shalt  }
0x4f: {  	_ =	shalt  }
0x50: {  	_ =	shalt  }
0x51: {  	_ =	shalt  }
0x52: {  	_ =	shalt  }
0x53: {  	_ =	shalt  }
0x54: {  	_ =	shalt  }
0x55: {  	_ =	shalt  }
0x56: {  	_ =	shalt  }
0x57: {  	_ =	shalt  }
0x58: {  	_ =	shalt  }
0x59: {  	_ =	shalt  }
0x5a: {  	_ =	shalt  }
0x5b: {  	_ =	shalt  }
0x5c: {  	_ =	shalt  }
0x5d: {  	_ =	shalt  }
0x5e: {  	_ =	shalt  }
0x5f: {  	_ =	shalt  }
0x60: {  	_ =	shalt  }
0x61: {  	_ =	shalt  }
0x62: {  	_ =	shalt  }
0x63: {  	_ =	shalt  }
0x64: {  	_ =	shalt  }
0x65: {  	_ =	shalt  }
0x66: {  	_ =	shalt  }
0x67: {  	_ =	shalt  }
0x68: {  	_ =	shalt  }
0x69: {  	_ =	shalt  }
0x6a: {  	_ =	shalt  }
0x6b: {  	_ =	shalt  }
0x6c: {  	_ =	shalt  }
0x6d: {  	_ =	shalt  }
0x6e: {  	_ =	shalt  }
0x6f: {  	_ =	shalt  }
0x70: {  	_ =	shalt  }
0x71: {  	_ =	shalt  }
0x72: {  	_ =	shalt  }
0x73: {  	_ =	shalt  }
0x74: {  	_ =	shalt  }
0x75: {  	_ =	shalt  }
0x76: {  	_ =	shalt  }
0x77: {  	_ =	shalt  }
0x78: {  	_ =	shalt  }
0x79: {  	_ =	shalt  }
0x7a: {  	_ =	shalt  }
0x7b: {  	_ =	shalt  }
0x7c: {  	_ =	shalt  }
0x7d: {  	_ =	shalt  }
0x7e: {  	_ =	shalt  }
0x7f: {  	_ =	shalt  }
0x80: {  	_ =	shalt  }
0x81: {  	_ =	shalt  }
0x82: {  	_ =	shalt  }
0x83: {  	_ =	shalt  }
0x84: {  	_ =	shalt  }
0x85: {  	_ =	shalt  }
0x86: {  	_ =	shalt  }
0x87: {  	_ =	shalt  }
.Lfunc_end0:
.L_simem_size_0:
called_computation.2_lowered:
.L_overlay_start_0:
0x88: {  	s2 =	sld [smem:$0x3FD9]  }
0x89: {  	s3 =	sld [smem:$0x3FFE];
	_ =	sdelay $0x1  }
0x8a: {  	s1 =	srdreg.scid  }
0x8b: {  	s0 =	sand.u32 $0x1, s1  }
0x8c: {  	s14 =	sshll.u32 s0, $0xA;
	s2 =	sadd.s32 s3, s2  }
0x8d: {  	s2 =	sadd.s32 s2, s14  }
0x8e: {  	[smem:$0x3FC4] =	sst s2  }
0x8f: {  	_ = 	snop  }
0x90: {  	s2 =	sld [smem:$0x3FD0];
	_ =	sdelay $0x2  }
0x91: {  	s15 =	simm.s32 $0xA;
	s4 =	simm.s32 $0x10  }
0x92: {  	[smem:s4], [sflag:s15] =	dma.local [hbm:s2], $0x1  }
0x93: {  	_ =	swait.eq [sflag:s15], $0x1  }
0x94: {  	[sflag:s15] =	ssyncset.done $0x0  }
0x95: {  	[sflag:s15] =	ssyncadd.s32 $0xFFFFFFFF  }
0x96: {  	s16 =	sld [smem:$0x10];
	(tm) =	ssettm $0x1  }
0x97: {  	s17 =	sld [smem:$0x3FFB];
	_ =	sdelay $0x3  }
0x98: {  	_ =	strace s17  }
0x99: {  	s3 =	sld [smem:$0x3FFC];
	_ =	sdelay $0x3  }
0x9a: {  	_ =	strace s3  }
0x9b: {  	s3 =	sld [smem:$0x3FFD];
	_ =	sdelay $0x3  }
0x9c: {  	_ =	strace s3  }
0x9d: {  	_ =	strace $0x8FFFFFFF  }
0x9e: {  	s18 =	sld [smem:$0x3FDB];
	_ =	sdelay $0x1  }
0x9f: {  	s19 =	simm.s32 $_scs_section_size  }
0xa0: {  	s5 =	simm.s32 $_size__tile_overlayer_lowered;
	s6 =	simm.s32 $_tile_overlayer_lowered  }
0xa1: {  	s22 =	simm.s32 $0x1BFF;
	s21 =	sshll.u32 s6, $0x1;
	s3 =	sadd.s32 s19, s18  }
0xa2: {  	s7 =	simm.s32 $0x0;
	s20 =	sshll.u32 s5, $0x1;
	s5 =	sadd.s32 s21, s3  }
0xa3: {  	[timem:s7], [sflag:s22] =	dma.local [hbm:s5], s20  }
0xa4: {  	_ =	swait.ge [sflag:s22], s20  }
0xa5: {  	s4 =	ssub.s32 $0x0, s20;
	[sflag:s22] =	ssyncset.done $0x0  }
0xa6: {  	[sflag:s22] =	ssyncadd.s32 s4;
	_ =	sdelay $0x1  }
0xa7: {  	s23 =	simm.s32 $0x1B8B  }
0xa8: {  	_ =	swait.ge [sflag:s23], $0x1  }
0xa9: {  	[sflag:s23] =	ssyncset.done $0x0  }
0xaa: {  	s25 =	simm.s32 $0x1B8E;
	s24 =	sld [smem:$0x3FFE];
	[sflag:s23] =	ssyncadd.s32 $0xFFFFFFFF  }
0xab: {  	s26 =	simm.s32 $execute0_lowered;
	[smem:$0x3FD2] =	sst s25  }
0xac: {  	s5 =	sshll.u32 s26, $0x1;
	_ =	strace $0x8000004C;
	[dreg:$0x1] =	wrdreg $0xFFFFFFFF  }
0xad: {  	s28 =	simm.s32 $_size_execute0_lowered;
	s3 =	sadd.s32 s3, s5;
	[dreg:$0x0] =	wrdreg $0x0  }
0xae: {  	s5 =	sshll.u32 s28, $0x1;
	[dreg:$0x2] =	wrdreg s3  }
0xaf: {  	[dreg:$0x3] =	wrdreg s5  }
0xb0: {  	[dreg:$0x4] =	wrdreg $0xC0  }
0xb1: {  	_ =	task [dreg:s7], $0x5FFFF  }
0xb2: {  	[dreg:$0x1] =	wrdreg $0xFFFFFFFF  }
0xb3: {  	[dreg:$0x0] =	wrdreg $0x60  }
0xb4: {  	[dreg:$0x2] =	wrdreg s24  }
0xb5: {  	[dreg:$0x3] =	wrdreg s16  }
0xb6: {  	[dreg:$0x4] =	wrdreg $0x9  }
0xb7: {  	_ =	task.clear_ibuf [dreg:s7], $0x5FFFF;
	_ =	strace $0x9000004C  }
0xb8: {  	s29 =	simm.s32 $0x9;
	_ =	strace $0x8000004E  }
0xb9: {  	_ =	swait.ge [sflag:s29], $0x1  }
0xba: {  	[sflag:s29] =	ssyncadd.s32 $0xFFFFFFFF  }
0xbb: {  	_ =	strace $0x9000004E  }
0xbc: {  	_ =	sfence  }
0xbd: {  	s30 =	sld [smem:$0x0];
	_ =	sdelay $0x2  }
0xbe: {  	s31 =	sshll.u32 s1, $0xD;
	s1 =	sshrl.u32 s1, $0x2  }
0xbf: {  	s3 =	sand.u32 $0x4000, s31;
	s1 =	sadd.s32 s1, s30  }
0xc0: {  	s0 =	sor.u32 s3, s0;
	s1 =	sshll.u32 s1, $0x11  }
0xc1: {  	s0 =	sor.u32 s1, s0  }
0xc2: {  	s0 =	sadd.s32 $0x8F2B, s0  }
0xc3: {  	[sflag:s0] =	ssyncadd.remote.s32 $0x1  }
0xc4: {  	_ =	sfence.sel $0xFFFF  }
0xc5: {  	[dreg:$0x0] =	wrdreg $0xFFFFFFFF;
	(pc) =	sbr.abs _section_cstart, $3  }
0xc6: {  	[dreg:$0x1] =	wrdreg $0xFFFFFFFF  }
0xc7: {  	_ =	task.clear_ibuf [dreg:s7], $0x2FFFF;
	_ =	strace $0x9FFFFFFF  }
0xc8: {  	(tm) =	ssettm $0x7FFFFFFF  }
0xc9: {  	_ =	shalt  }
tec
execute0_lowered:
.L_overlay_start_1:
0x0: {  	(tag) =	ssettag $0x1  }
0x1: {  	s2 =	rddreg [dreg:$0x0];
	s1 =	srdreg.scid  }
0x2: {  	s0 =	stileid.u32;
	s9 =	rddreg [dreg:$0x1]  }
0x3: {  	s3 =	simm.s32 $0x0;
	s6 =	sand.u32 $0x1, s1;
	s4 =	sshll.u32 s0, $0x1  }
0x4: {  	[smem:$0x7FF] =	sst s3;
	s10 =	sor.u32 s6, s4  }
0x5: {  	s1 =	rddreg [dreg:$0x2];
	_ =	strace $0x8000004D;
	s4 =	sadd.s32 s10, s2  }
0x6: {  	s11 =	ssub.s32 $0x2, s6;
	s5 =	sadd.s32 $0x20200, s4;
	s4 =	simm.s32 $0x2  }
0x7: {  	[tilespmem:s3], [sflag:$0x2] =	stream.linear.gather [hbm4b:s5+s3], $0x8, $0x38;
	[tilespmem:$0x480] =	vst v63  }
0x8: {  	s7 =	simm.s32 $0x80;
	s12 =	sshrl.u32 s11, $0x1;
	_ =	swait.ge [sflag:s4], $0x8  }
0x9: {  	s8 =	simm.s32 $0x1;
	s11 =	ssub.s32 s11, s12;
	[sflag:s4] =	ssyncset.done $0x0  }
0xa: {  	s6 =	simm.s32 $0x8;
	s31 =	smax.u32 s11, $0x1;
	[sflag:s4] =	ssyncadd.s32 $0xFFFFFFF8  }
0xb: {  	[tilespmem:s7], [sflag:$0x1] =	stream.indirect.gather [hbm4b:s2+s6], $0x80, s3, s6, $0xb8;
	[tilespmem:$0x480] =	vst v63  }
0xc: {  	p0 =	sne.s32 s31, $0x1;
	_ =	swait.ge [sflag:s8], $0x400  }
.Ltmp0:
0xd: {  	s10 =	sshll.u32 s10, $0x7;
	[sflag:s8] =	ssyncset.done $0x0;
	(pc) =	sbr.rel @!p0 .LBB2_2-.Ltmp0, $4  }
0xe: {  	s9 =	sadd.s32 s9, s10;
	[sflag:s8] =	ssyncadd.s32 $0xFFFFFC00  }
0xf: {  	[hbm4b:s9+s3] =	stream.linear.scatter [tilespmem:s7], [sflag:$0x2], $0x400, $0x38;
	[tilespmem:$0x480] =	vst v63  }
0x10: {  	_ =	swait.ge [sflag:s4], $0x400  }
0x11: {  	s10 =	sadd.s32 $0xFFFFFFFF, s31;
	[sflag:s4] =	ssyncset.done $0x0  }
.LBB2_1:
0x12: {  	p0 =	sne.s32 s10, $0x1;
	s10 =	sadd.s32 $0xFFFFFFFF, s10;
	[sflag:s4] =	ssyncadd.s32 $0xFFFFFC00  }
0x13: {  	[tilespmem:s3], [sflag:$0x2] =	stream.linear.gather [hbm4b:s5+s3], $0x8, $0x38;
	[tilespmem:$0x480] =	vst v63  }
0x14: {  	_ =	swait.ge [sflag:s4], $0x8  }
0x15: {  	[sflag:s4] =	ssyncset.done $0x0  }
0x16: {  	[sflag:s4] =	ssyncadd.s32 $0xFFFFFFF8  }
0x17: {  	[tilespmem:s7], [sflag:$0x1] =	stream.indirect.gather [hbm4b:s2+s6], $0x80, s3, s6, $0xb8;
	[tilespmem:$0x480] =	vst v63  }
0x18: {  	_ =	swait.ge [sflag:s8], $0x400  }
.Ltmp1:
0x19: {  	[sflag:s8] =	ssyncset.done $0x0;
	(pc) =	sbr.rel @p0 .LBB2_1-.Ltmp1, $4  }
0x1a: {  	[sflag:s8] =	ssyncadd.s32 $0xFFFFFC00  }
0x1b: {  	[hbm4b:s9+s3] =	stream.linear.scatter [tilespmem:s7], [sflag:$0x2], $0x400, $0x38;
	[tilespmem:$0x480] =	vst v63  }
0x1c: {  	_ =	swait.ge [sflag:s4], $0x400  }
0x1d: {  	[sflag:s4] =	ssyncset.done $0x0  }
.LBB2_2:
0x1e: {  	[sflag:s4] =	ssyncadd.s32 $0xFFFFFC00  }
0x1f: {  	_ =	sfence.sel $0x180000  }
0x20: {  	[bflag:$0x0] =	sbarrier.arrive $0xFFFF  }
0x21: {  	p0 =	sne.s32 s0, $0x0;
	_ =	strace $0x9000004D  }
0x22: {  	s0 =	sadd.s32 @!p0 $0x100000, s1;
	[bflag:$0x2] =	sbarrier.arrive $0xFFFF  }
0x23: {  	[sflag:s0] =	ssyncadd.tile.s32 @!p0 $0x1;
	_ =	shalt  }
.Lfunc_end2:
_tile_overlayer_lowered:
.L_overlay_start_2:
0x24: {  	(tag) =	ssettag $0x2  }
0x25: {  	s0 =	rddreg [dreg:$0x0];
	s2 =	stileid.u32  }
0x26: {  	s1 =	rddreg [dreg:$0x1];
	p0 =	sne.s32 s2, $0x0  }
0x27: {  	s3 =	rddreg [dreg:$0x2];
	[bflag:$0x3] =	sbarrier.arrive $0xFFFF;
	s2 =	simm.s32 @!p0 $0x1C02  }
0x28: {  	[timem:s3], [sflag:s2] =	dma.local @!p0 [hbm:s0], s1  }
0x29: {  	s0 =	simm.s32 @!p0 $0x2  }
0x2a: {  	_ =	swait.ge @!p0 [sflag:s0], s1  }
0x2b: {  	s1 =	ssub.s32 @!p0 $0x0, s1;
	[sflag:s0] =	ssyncset.done @!p0 $0x0  }
0x2c: {  	[sflag:s0] =	ssyncadd.s32 @!p0 s1  }
0x2d: {  	[bflag:$0x3] =	sbarrier.arrive $0xFFFF  }
0x2e: {  	_ =	shalt  }

// kernel: kernel.23.cloned.1.call-start
scs
__scs_entry_jumppad:
0x0: {  	(pc) =	sbr.rel $0x88, $3  }
0x1: {  	(tag) =	ssettag $0x0;
	lr =	simm.s32 $0x1  }
0x2: {  	[smem:$0x3F9D] =	sst lr;
	_ =	strace $0xD0000000  }
0x3: {  	_ = 	snop  }
0x4: {  	_ = 	snop  }
0x5: {  	_ = 	snop  }
0x6: {  	_ = 	snop  }
0x7: {  	_ = 	snop  }
__scs_overlays_trampoline_lowered:
0x8: {  	[smem:$0x3FAC] =	sst s0  }
0x9: {  	[smem:$0x3FAD] =	sst s1  }
0xa: {  	[smem:$0x3FAE] =	sst s2  }
0xb: {  	[smem:$0x3FAF] =	sst s3  }
0xc: {  	[smem:$0x3FB0] =	sst s4  }
0xd: {  	[smem:$0x3FB1] =	sst s5  }
0xe: {  	[smem:$0x3FB2] =	sst s6  }
0xf: {  	[smem:$0x3FB3] =	sst s7  }
0x10: {  	[smem:$0x3FB4] =	sst s8  }
0x11: {  	[smem:$0x3FB5] =	sst s9;
	s0 =	simm.s32 @!p0 $0x0  }
0x12: {  	s1 =	sld [smem:$0x3F9B];
	s0 =	simm.s32 @p0 $0x1  }
0x13: {  	[smem:$0x3FB6] =	sst s0;
	s0 =	simm.s32 @!p1 $0x0  }
0x14: {  	s2 =	sld [smem:$0x3F9A];
	s0 =	simm.s32 @p1 $0x1  }
0x15: {  	[smem:$0x3FB7] =	sst s0;
	s0 =	simm.s32 @!p2 $0x0  }
0x16: {  	s3 =	sld [smem:$0x3FDB];
	s0 =	simm.s32 @p2 $0x1  }
0x17: {  	s4 =	simm.s32 $0x1BF5;
	[smem:$0x3FB9] =	sst s0  }
0x18: {  	s0 =	sld [smem:$0x3F9C];
	_ =	swait.ge [sflag:s4], $0x0  }
0x19: {  	s7 =	sld [smem:$0x3F9D]  }
0x1a: {  	s8 =	sadd.s32 $0xFFFFE003, lr  }
0x1b: {  	s9 =	sadd.s32 $0xFFFFFEF7, lr;
	s5 =	simm.s32 $0xFFFFFFFF;
	p2 =	slt.u32 s8, $0xFFFFF086  }
0x1c: {  	p1 =	slt.u32 s9, $0xF7A;
	s5 =	simm.s32 @!p2 $0x0  }
0x1d: {  	s5 =	simm.s32 @p1 $0x1;
	p0 =	seq.s32 s7, s2  }
0x1e: {  	s7 =	smul.u32 @!p0 $0xF7A, s2;
	p2 =	seq.s32 @!p0 s5, $0x0  }
0x1f: {  	s9 =	smul.u32 $0xF7A, s1;
	s8 =	simm.s32 @!p0 $0x1BF5;
	p2 =	por !p2, p0  }
0x20: {  	[sflag:s8] =	ssyncset.s32 @!p0 $0xFFFFF086;
	s6 =	sadd.s32 @!p0 s3, s7;
	s7 =	simm.s32 @!p0 $0x108  }
0x21: {  	s3 =	sadd.s32 s3, s9;
	s6 =	sadd.s32 @!p0 $0x88, s6;
	s7 =	simm.s32 @p2 $0x1082  }
0x22: {  	[simem:s7], [sflag:s8] =	dma.local @!p0 [hbm:s6], $0xF7A  }
0x23: {  	s9 =	sor.u32 $0xD0000000, s2;
	s6 =	simm.s32 $0x108;
	_ =	swait.ge @!p0 [sflag:s8], $0x0  }
0x24: {  	s3 =	sadd.s32 $0x88, s3;
	s6 =	simm.s32 @!p1 $0x1082;
	[sflag:s4] =	ssyncset.s32 $0xFFFFF086  }
0x25: {  	[simem:s6], [sflag:s4] =	dma.local [hbm:s3], $0xF7A  }
0x26: {  	[smem:$0x3F9D] =	sst s1;
	(tag) =	ssettag s2;
	_ =	strace s9  }
0x27: {  	s1 =	sld [smem:$0x3FAD]  }
0x28: {  	s2 =	sld [smem:$0x3FAE]  }
0x29: {  	s4 =	sld [smem:$0x3FB0]  }
0x2a: {  	p0 =	seq.s32 s5, $0x0;
	s5 =	sld [smem:$0x3FB1]  }
0x2b: {  	s6 =	sld [smem:$0x3FB2]  }
0x2c: {  	s7 =	sld [smem:$0x3FB3]  }
0x2d: {  	s3 =	simm.s32 $0x108;
	s8 =	sld [smem:$0x3FB4]  }
0x2e: {  	s3 =	simm.s32 @!p0 $0x1082;
	s9 =	sld [smem:$0x3FB5]  }
0x2f: {  	lr =	sadd.s32 s0, s3;
	s0 =	sld [smem:$0x3FAC]  }
0x30: {  	s3 =	sld [smem:$0x3FAF]  }
0x31: {  	[smem:$0x3FB8] =	sst s10  }
0x32: {  	s10 =	sld [smem:$0x3FB6];
	_ =	sdelay $0x3  }
0x33: {  	p0 =	seq.s32 s10, $0x1;
	s10 =	sld [smem:$0x3FB8];
	_ =	sdelay $0x3  }
0x34: {  	[smem:$0x3FB8] =	sst s10  }
0x35: {  	s10 =	sld [smem:$0x3FB7];
	_ =	sdelay $0x3  }
0x36: {  	p1 =	seq.s32 s10, $0x1;
	s10 =	sld [smem:$0x3FB8];
	_ =	sdelay $0x3  }
0x37: {  	[smem:$0x3FB8] =	sst s10  }
0x38: {  	s10 =	sld [smem:$0x3FB9]  }
0x39: {  	_ = 	snop;
	(pc) =	sbr.ind lr, $3  }
0x3a: {  	_ = 	snop  }
0x3b: {  	_ = 	snop  }
0x3c: {  	p2 =	seq.s32 s10, $0x1;
	s10 =	sld [smem:$0x3FB8]  }
0x3d: {  	_ =	shalt  }
0x3e: {  	_ =	shalt  }
0x3f: {  	_ =	shalt  }
0x40: {  	_ =	shalt  }
0x41: {  	_ =	shalt  }
0x42: {  	_ =	shalt  }
0x43: {  	_ =	shalt  }
0x44: {  	_ =	shalt  }
0x45: {  	_ =	shalt  }
0x46: {  	_ =	shalt  }
0x47: {  	_ =	shalt  }
0x48: {  	_ =	shalt  }
0x49: {  	_ =	shalt  }
0x4a: {  	_ =	shalt  }
0x4b: {  	_ =	shalt  }
0x4c: {  	_ =	shalt  }
0x4d: {  	_ =	shalt  }
0x4e: {  	_ =	shalt  }
0x4f: {  	_ =	shalt  }
0x50: {  	_ =	shalt  }
0x51: {  	_ =	shalt  }
0x52: {  	_ =	shalt  }
0x53: {  	_ =	shalt  }
0x54: {  	_ =	shalt  }
0x55: {  	_ =	shalt  }
0x56: {  	_ =	shalt  }
0x57: {  	_ =	shalt  }
0x58: {  	_ =	shalt  }
0x59: {  	_ =	shalt  }
0x5a: {  	_ =	shalt  }
0x5b: {  	_ =	shalt  }
0x5c: {  	_ =	shalt  }
0x5d: {  	_ =	shalt  }
0x5e: {  	_ =	shalt  }
0x5f: {  	_ =	shalt  }
0x60: {  	_ =	shalt  }
0x61: {  	_ =	shalt  }
0x62: {  	_ =	shalt  }
0x63: {  	_ =	shalt  }
0x64: {  	_ =	shalt  }
0x65: {  	_ =	shalt  }
0x66: {  	_ =	shalt  }
0x67: {  	_ =	shalt  }
0x68: {  	_ =	shalt  }
0x69: {  	_ =	shalt  }
0x6a: {  	_ =	shalt  }
0x6b: {  	_ =	shalt  }
0x6c: {  	_ =	shalt  }
0x6d: {  	_ =	shalt  }
0x6e: {  	_ =	shalt  }
0x6f: {  	_ =	shalt  }
0x70: {  	_ =	shalt  }
0x71: {  	_ =	shalt  }
0x72: {  	_ =	shalt  }
0x73: {  	_ =	shalt  }
0x74: {  	_ =	shalt  }
0x75: {  	_ =	shalt  }
0x76: {  	_ =	shalt  }
0x77: {  	_ =	shalt  }
0x78: {  	_ =	shalt  }
0x79: {  	_ =	shalt  }
0x7a: {  	_ =	shalt  }
0x7b: {  	_ =	shalt  }
0x7c: {  	_ =	shalt  }
0x7d: {  	_ =	shalt  }
0x7e: {  	_ =	shalt  }
0x7f: {  	_ =	shalt  }
0x80: {  	_ =	shalt  }
0x81: {  	_ =	shalt  }
0x82: {  	_ =	shalt  }
0x83: {  	_ =	shalt  }
0x84: {  	_ =	shalt  }
0x85: {  	_ =	shalt  }
0x86: {  	_ =	shalt  }
0x87: {  	_ =	shalt  }
.Lfunc_end0:
.L_simem_size_0:
called_computation.3_lowered:
.L_overlay_start_0:
0x88: {  	s2 =	sld [smem:$0x3FD9]  }
0x89: {  	s3 =	sld [smem:$0x3FFE];
	_ =	sdelay $0x1  }
0x8a: {  	s1 =	srdreg.scid  }
0x8b: {  	s0 =	sand.u32 $0x1, s1  }
0x8c: {  	s14 =	sshll.u32 s0, $0xA;
	s2 =	sadd.s32 s3, s2  }
0x8d: {  	s2 =	sadd.s32 s2, s14  }
0x8e: {  	[smem:$0x3FC4] =	sst s2  }
0x8f: {  	_ = 	snop  }
0x90: {  	s2 =	sld [smem:$0x3FD0];
	_ =	sdelay $0x2  }
0x91: {  	s15 =	simm.s32 $0xA;
	s4 =	simm.s32 $0x10  }
0x92: {  	[smem:s4], [sflag:s15] =	dma.local [hbm:s2], $0x1  }
0x93: {  	_ =	swait.eq [sflag:s15], $0x1  }
0x94: {  	[sflag:s15] =	ssyncset.done $0x0  }
0x95: {  	[sflag:s15] =	ssyncadd.s32 $0xFFFFFFFF  }
0x96: {  	s16 =	sld [smem:$0x10];
	(tm) =	ssettm $0x1  }
0x97: {  	s17 =	sld [smem:$0x3FFB];
	_ =	sdelay $0x3  }
0x98: {  	_ =	strace s17  }
0x99: {  	s3 =	sld [smem:$0x3FFC];
	_ =	sdelay $0x3  }
0x9a: {  	_ =	strace s3  }
0x9b: {  	s3 =	sld [smem:$0x3FFD];
	_ =	sdelay $0x3  }
0x9c: {  	_ =	strace s3  }
0x9d: {  	_ =	strace $0x8FFFFFFF  }
0x9e: {  	s18 =	sld [smem:$0x3FDB];
	_ =	sdelay $0x1  }
0x9f: {  	s19 =	simm.s32 $_scs_section_size  }
0xa0: {  	s5 =	simm.s32 $_size__tile_overlayer_lowered;
	s6 =	simm.s32 $_tile_overlayer_lowered  }
0xa1: {  	s22 =	simm.s32 $0x1BFF;
	s21 =	sshll.u32 s6, $0x1;
	s3 =	sadd.s32 s19, s18  }
0xa2: {  	s7 =	simm.s32 $0x0;
	s20 =	sshll.u32 s5, $0x1;
	s5 =	sadd.s32 s21, s3  }
0xa3: {  	[timem:s7], [sflag:s22] =	dma.local [hbm:s5], s20  }
0xa4: {  	_ =	swait.ge [sflag:s22], s20  }
0xa5: {  	s4 =	ssub.s32 $0x0, s20;
	[sflag:s22] =	ssyncset.done $0x0  }
0xa6: {  	[sflag:s22] =	ssyncadd.s32 s4;
	_ =	sdelay $0x1  }
0xa7: {  	s23 =	simm.s32 $0x1B8B  }
0xa8: {  	_ =	swait.ge [sflag:s23], $0x1  }
0xa9: {  	[sflag:s23] =	ssyncset.done $0x0  }
0xaa: {  	s25 =	simm.s32 $0x1B8E;
	s24 =	sld [smem:$0x3FFE];
	[sflag:s23] =	ssyncadd.s32 $0xFFFFFFFF  }
0xab: {  	s26 =	simm.s32 $execute0_lowered;
	[smem:$0x3FD2] =	sst s25  }
0xac: {  	s5 =	sshll.u32 s26, $0x1;
	_ =	strace $0x8000004F;
	[dreg:$0x1] =	wrdreg $0xFFFFFFFF  }
0xad: {  	s28 =	simm.s32 $_size_execute0_lowered;
	s3 =	sadd.s32 s3, s5;
	[dreg:$0x0] =	wrdreg $0x0  }
0xae: {  	s5 =	sshll.u32 s28, $0x1;
	[dreg:$0x2] =	wrdreg s3  }
0xaf: {  	[dreg:$0x3] =	wrdreg s5  }
0xb0: {  	[dreg:$0x4] =	wrdreg $0xC0  }
0xb1: {  	_ =	task [dreg:s7], $0x5FFFF  }
0xb2: {  	[dreg:$0x1] =	wrdreg $0xFFFFFFFF  }
0xb3: {  	[dreg:$0x0] =	wrdreg $0x60  }
0xb4: {  	[dreg:$0x2] =	wrdreg s24  }
0xb5: {  	[dreg:$0x3] =	wrdreg s16  }
0xb6: {  	[dreg:$0x4] =	wrdreg $0x9  }
0xb7: {  	_ =	task.clear_ibuf [dreg:s7], $0x5FFFF;
	_ =	strace $0x9000004F  }
0xb8: {  	s29 =	simm.s32 $0x9;
	_ =	strace $0x80000051  }
0xb9: {  	_ =	swait.ge [sflag:s29], $0x1  }
0xba: {  	[sflag:s29] =	ssyncadd.s32 $0xFFFFFFFF  }
0xbb: {  	_ =	strace $0x90000051  }
0xbc: {  	_ =	sfence  }
0xbd: {  	s30 =	sld [smem:$0x0];
	_ =	sdelay $0x2  }
0xbe: {  	s31 =	sshll.u32 s1, $0xD;
	s1 =	sshrl.u32 s1, $0x2  }
0xbf: {  	s3 =	sand.u32 $0x4000, s31;
	s1 =	sadd.s32 s1, s30  }
0xc0: {  	s0 =	sor.u32 s3, s0;
	s1 =	sshll.u32 s1, $0x11  }
0xc1: {  	s0 =	sor.u32 s1, s0  }
0xc2: {  	s0 =	sadd.s32 $0x8F2B, s0  }
0xc3: {  	[sflag:s0] =	ssyncadd.remote.s32 $0x1  }
0xc4: {  	_ =	sfence.sel $0xFFFF  }
0xc5: {  	[dreg:$0x0] =	wrdreg $0xFFFFFFFF;
	(pc) =	sbr.abs _section_cstart, $3  }
0xc6: {  	[dreg:$0x1] =	wrdreg $0xFFFFFFFF  }
0xc7: {  	_ =	task.clear_ibuf [dreg:s7], $0x2FFFF;
	_ =	strace $0x9FFFFFFF  }
0xc8: {  	(tm) =	ssettm $0x7FFFFFFF  }
0xc9: {  	_ =	shalt  }
tec
execute0_lowered:
.L_overlay_start_1:
0x0: {  	(tag) =	ssettag $0x1  }
0x1: {  	s1 =	srdreg.scid;
	s0 =	stileid.u32  }
0x2: {  	s2 =	rddreg [dreg:$0x0];
	s6 =	sand.u32 $0x1, s1;
	s30 =	sshll.u32 s0, $0x1  }
0x3: {  	s9 =	rddreg [dreg:$0x1];
	s3 =	simm.s32 $0x0;
	s10 =	sor.u32 s6, s30  }
0x4: {  	[smem:$0x7FF] =	sst s3;
	s4 =	sshll.u32 s10, $0x2  }
0x5: {  	s1 =	rddreg [dreg:$0x2];
	_ =	strace $0x80000050;
	s4 =	sadd.s32 s4, s2  }
0x6: {  	s11 =	ssub.s32 $0x2, s6;
	s5 =	sadd.s32 $0x20400, s4;
	s4 =	simm.s32 $0x2  }
0x7: {  	[tilespmem:s3], [sflag:$0x2] =	stream.linear.gather [hbm4b:s5+s3], $0x20, $0x38;
	[tilespmem:$0x1080] =	vst v63  }
0x8: {  	s7 =	simm.s32 $0x80;
	s12 =	sshrl.u32 s11, $0x1;
	_ =	swait.ge [sflag:s4], $0x20  }
0x9: {  	s8 =	simm.s32 $0x1;
	s11 =	ssub.s32 s11, s12;
	[sflag:s4] =	ssyncset.done $0x0  }
0xa: {  	s6 =	simm.s32 $0x20;
	s31 =	smax.u32 s11, $0x1;
	[sflag:s4] =	ssyncadd.s32 $0xFFFFFFE0  }
0xb: {  	[tilespmem:s7], [sflag:$0x1] =	stream.indirect.gather [hbm4b:s2+s6], $0x80, s3, s6, $0xb8;
	[tilespmem:$0x1080] =	vst v63  }
0xc: {  	p0 =	sne.s32 s31, $0x1;
	_ =	swait.ge [sflag:s8], $0x1000  }
.Ltmp0:
0xd: {  	s10 =	sshll.u32 s10, $0x9;
	[sflag:s8] =	ssyncset.done $0x0;
	(pc) =	sbr.rel @!p0 .LBB2_2-.Ltmp0, $4  }
0xe: {  	s9 =	sadd.s32 s9, s10;
	[sflag:s8] =	ssyncadd.s32 $0xFFFFF000  }
0xf: {  	[hbm4b:s9+s3] =	stream.linear.scatter [tilespmem:s7], [sflag:$0x2], $0x1000, $0x38;
	[tilespmem:$0x1080] =	vst v63  }
0x10: {  	_ =	swait.ge [sflag:s4], $0x1000  }
0x11: {  	s10 =	sadd.s32 $0xFFFFFFFF, s31;
	[sflag:s4] =	ssyncset.done $0x0  }
.LBB2_1:
0x12: {  	p0 =	sne.s32 s10, $0x1;
	s10 =	sadd.s32 $0xFFFFFFFF, s10;
	[sflag:s4] =	ssyncadd.s32 $0xFFFFF000  }
0x13: {  	[tilespmem:s3], [sflag:$0x2] =	stream.linear.gather [hbm4b:s5+s3], $0x20, $0x38;
	[tilespmem:$0x1080] =	vst v63  }
0x14: {  	_ =	swait.ge [sflag:s4], $0x20  }
0x15: {  	[sflag:s4] =	ssyncset.done $0x0  }
0x16: {  	[sflag:s4] =	ssyncadd.s32 $0xFFFFFFE0  }
0x17: {  	[tilespmem:s7], [sflag:$0x1] =	stream.indirect.gather [hbm4b:s2+s6], $0x80, s3, s6, $0xb8;
	[tilespmem:$0x1080] =	vst v63  }
0x18: {  	_ =	swait.ge [sflag:s8], $0x1000  }
.Ltmp1:
0x19: {  	[sflag:s8] =	ssyncset.done $0x0;
	(pc) =	sbr.rel @p0 .LBB2_1-.Ltmp1, $4  }
0x1a: {  	[sflag:s8] =	ssyncadd.s32 $0xFFFFF000  }
0x1b: {  	[hbm4b:s9+s3] =	stream.linear.scatter [tilespmem:s7], [sflag:$0x2], $0x1000, $0x38;
	[tilespmem:$0x1080] =	vst v63  }
0x1c: {  	_ =	swait.ge [sflag:s4], $0x1000  }
0x1d: {  	[sflag:s4] =	ssyncset.done $0x0  }
.LBB2_2:
0x1e: {  	[sflag:s4] =	ssyncadd.s32 $0xFFFFF000  }
0x1f: {  	_ =	sfence.sel $0x180000  }
0x20: {  	[bflag:$0x0] =	sbarrier.arrive $0xFFFF  }
0x21: {  	p0 =	sne.s32 s0, $0x0;
	_ =	strace $0x90000050  }
0x22: {  	s0 =	sadd.s32 @!p0 $0x100000, s1;
	[bflag:$0x2] =	sbarrier.arrive $0xFFFF  }
0x23: {  	[sflag:s0] =	ssyncadd.tile.s32 @!p0 $0x1;
	_ =	shalt  }
.Lfunc_end2:
_tile_overlayer_lowered:
.L_overlay_start_2:
0x24: {  	(tag) =	ssettag $0x2  }
0x25: {  	s0 =	rddreg [dreg:$0x0];
	s2 =	stileid.u32  }
0x26: {  	s1 =	rddreg [dreg:$0x1];
	p0 =	sne.s32 s2, $0x0  }
0x27: {  	s3 =	rddreg [dreg:$0x2];
	[bflag:$0x3] =	sbarrier.arrive $0xFFFF;
	s2 =	simm.s32 @!p0 $0x1C02  }
0x28: {  	[timem:s3], [sflag:s2] =	dma.local @!p0 [hbm:s0], s1  }
0x29: {  	s0 =	simm.s32 @!p0 $0x2  }
0x2a: {  	_ =	swait.ge @!p0 [sflag:s0], s1  }
0x2b: {  	s1 =	ssub.s32 @!p0 $0x0, s1;
	[sflag:s0] =	ssyncset.done @!p0 $0x0  }
0x2c: {  	[sflag:s0] =	ssyncadd.s32 @!p0 s1  }
0x2d: {  	[bflag:$0x3] =	sbarrier.arrive $0xFFFF  }
0x2e: {  	_ =	shalt  }

// kernel: kernel.26.cloned.1.call-start
scs
__scs_entry_jumppad:
0x0: {  	(pc) =	sbr.rel $0x88, $3  }
0x1: {  	(tag) =	ssettag $0x0;
	lr =	simm.s32 $0x1  }
0x2: {  	[smem:$0x3F9D] =	sst lr;
	_ =	strace $0xD0000000  }
0x3: {  	_ = 	snop  }
0x4: {  	_ = 	snop  }
0x5: {  	_ = 	snop  }
0x6: {  	_ = 	snop  }
0x7: {  	_ = 	snop  }
__scs_overlays_trampoline_lowered:
0x8: {  	[smem:$0x3FAC] =	sst s0  }
0x9: {  	[smem:$0x3FAD] =	sst s1  }
0xa: {  	[smem:$0x3FAE] =	sst s2  }
0xb: {  	[smem:$0x3FAF] =	sst s3  }
0xc: {  	[smem:$0x3FB0] =	sst s4  }
0xd: {  	[smem:$0x3FB1] =	sst s5  }
0xe: {  	[smem:$0x3FB2] =	sst s6  }
0xf: {  	[smem:$0x3FB3] =	sst s7  }
0x10: {  	[smem:$0x3FB4] =	sst s8  }
0x11: {  	[smem:$0x3FB5] =	sst s9;
	s0 =	simm.s32 @!p0 $0x0  }
0x12: {  	s1 =	sld [smem:$0x3F9B];
	s0 =	simm.s32 @p0 $0x1  }
0x13: {  	[smem:$0x3FB6] =	sst s0;
	s0 =	simm.s32 @!p1 $0x0  }
0x14: {  	s2 =	sld [smem:$0x3F9A];
	s0 =	simm.s32 @p1 $0x1  }
0x15: {  	[smem:$0x3FB7] =	sst s0;
	s0 =	simm.s32 @!p2 $0x0  }
0x16: {  	s3 =	sld [smem:$0x3FDB];
	s0 =	simm.s32 @p2 $0x1  }
0x17: {  	s4 =	simm.s32 $0x1BF5;
	[smem:$0x3FB9] =	sst s0  }
0x18: {  	s0 =	sld [smem:$0x3F9C];
	_ =	swait.ge [sflag:s4], $0x0  }
0x19: {  	s7 =	sld [smem:$0x3F9D]  }
0x1a: {  	s8 =	sadd.s32 $0xFFFFE003, lr  }
0x1b: {  	s9 =	sadd.s32 $0xFFFFFEF7, lr;
	s5 =	simm.s32 $0xFFFFFFFF;
	p2 =	slt.u32 s8, $0xFFFFF086  }
0x1c: {  	p1 =	slt.u32 s9, $0xF7A;
	s5 =	simm.s32 @!p2 $0x0  }
0x1d: {  	s5 =	simm.s32 @p1 $0x1;
	p0 =	seq.s32 s7, s2  }
0x1e: {  	s7 =	smul.u32 @!p0 $0xF7A, s2;
	p2 =	seq.s32 @!p0 s5, $0x0  }
0x1f: {  	s9 =	smul.u32 $0xF7A, s1;
	s8 =	simm.s32 @!p0 $0x1BF5;
	p2 =	por !p2, p0  }
0x20: {  	[sflag:s8] =	ssyncset.s32 @!p0 $0xFFFFF086;
	s6 =	sadd.s32 @!p0 s3, s7;
	s7 =	simm.s32 @!p0 $0x108  }
0x21: {  	s3 =	sadd.s32 s3, s9;
	s6 =	sadd.s32 @!p0 $0x88, s6;
	s7 =	simm.s32 @p2 $0x1082  }
0x22: {  	[simem:s7], [sflag:s8] =	dma.local @!p0 [hbm:s6], $0xF7A  }
0x23: {  	s9 =	sor.u32 $0xD0000000, s2;
	s6 =	simm.s32 $0x108;
	_ =	swait.ge @!p0 [sflag:s8], $0x0  }
0x24: {  	s3 =	sadd.s32 $0x88, s3;
	s6 =	simm.s32 @!p1 $0x1082;
	[sflag:s4] =	ssyncset.s32 $0xFFFFF086  }
0x25: {  	[simem:s6], [sflag:s4] =	dma.local [hbm:s3], $0xF7A  }
0x26: {  	[smem:$0x3F9D] =	sst s1;
	(tag) =	ssettag s2;
	_ =	strace s9  }
0x27: {  	s1 =	sld [smem:$0x3FAD]  }
0x28: {  	s2 =	sld [smem:$0x3FAE]  }
0x29: {  	s4 =	sld [smem:$0x3FB0]  }
0x2a: {  	p0 =	seq.s32 s5, $0x0;
	s5 =	sld [smem:$0x3FB1]  }
0x2b: {  	s6 =	sld [smem:$0x3FB2]  }
0x2c: {  	s7 =	sld [smem:$0x3FB3]  }
0x2d: {  	s3 =	simm.s32 $0x108;
	s8 =	sld [smem:$0x3FB4]  }
0x2e: {  	s3 =	simm.s32 @!p0 $0x1082;
	s9 =	sld [smem:$0x3FB5]  }
0x2f: {  	lr =	sadd.s32 s0, s3;
	s0 =	sld [smem:$0x3FAC]  }
0x30: {  	s3 =	sld [smem:$0x3FAF]  }
0x31: {  	[smem:$0x3FB8] =	sst s10  }
0x32: {  	s10 =	sld [smem:$0x3FB6];
	_ =	sdelay $0x3  }
0x33: {  	p0 =	seq.s32 s10, $0x1;
	s10 =	sld [smem:$0x3FB8];
	_ =	sdelay $0x3  }
0x34: {  	[smem:$0x3FB8] =	sst s10  }
0x35: {  	s10 =	sld [smem:$0x3FB7];
	_ =	sdelay $0x3  }
0x36: {  	p1 =	seq.s32 s10, $0x1;
	s10 =	sld [smem:$0x3FB8];
	_ =	sdelay $0x3  }
0x37: {  	[smem:$0x3FB8] =	sst s10  }
0x38: {  	s10 =	sld [smem:$0x3FB9]  }
0x39: {  	_ = 	snop;
	(pc) =	sbr.ind lr, $3  }
0x3a: {  	_ = 	snop  }
0x3b: {  	_ = 	snop  }
0x3c: {  	p2 =	seq.s32 s10, $0x1;
	s10 =	sld [smem:$0x3FB8]  }
0x3d: {  	_ =	shalt  }
0x3e: {  	_ =	shalt  }
0x3f: {  	_ =	shalt  }
0x40: {  	_ =	shalt  }
0x41: {  	_ =	shalt  }
0x42: {  	_ =	shalt  }
0x43: {  	_ =	shalt  }
0x44: {  	_ =	shalt  }
0x45: {  	_ =	shalt  }
0x46: {  	_ =	shalt  }
0x47: {  	_ =	shalt  }
0x48: {  	_ =	shalt  }
0x49: {  	_ =	shalt  }
0x4a: {  	_ =	shalt  }
0x4b: {  	_ =	shalt  }
0x4c: {  	_ =	shalt  }
0x4d: {  	_ =	shalt  }
0x4e: {  	_ =	shalt  }
0x4f: {  	_ =	shalt  }
0x50: {  	_ =	shalt  }
0x51: {  	_ =	shalt  }
0x52: {  	_ =	shalt  }
0x53: {  	_ =	shalt  }
0x54: {  	_ =	shalt  }
0x55: {  	_ =	shalt  }
0x56: {  	_ =	shalt  }
0x57: {  	_ =	shalt  }
0x58: {  	_ =	shalt  }
0x59: {  	_ =	shalt  }
0x5a: {  	_ =	shalt  }
0x5b: {  	_ =	shalt  }
0x5c: {  	_ =	shalt  }
0x5d: {  	_ =	shalt  }
0x5e: {  	_ =	shalt  }
0x5f: {  	_ =	shalt  }
0x60: {  	_ =	shalt  }
0x61: {  	_ =	shalt  }
0x62: {  	_ =	shalt  }
0x63: {  	_ =	shalt  }
0x64: {  	_ =	shalt  }
0x65: {  	_ =	shalt  }
0x66: {  	_ =	shalt  }
0x67: {  	_ =	shalt  }
0x68: {  	_ =	shalt  }
0x69: {  	_ =	shalt  }
0x6a: {  	_ =	shalt  }
0x6b: {  	_ =	shalt  }
0x6c: {  	_ =	shalt  }
0x6d: {  	_ =	shalt  }
0x6e: {  	_ =	shalt  }
0x6f: {  	_ =	shalt  }
0x70: {  	_ =	shalt  }
0x71: {  	_ =	shalt  }
0x72: {  	_ =	shalt  }
0x73: {  	_ =	shalt  }
0x74: {  	_ =	shalt  }
0x75: {  	_ =	shalt  }
0x76: {  	_ =	shalt  }
0x77: {  	_ =	shalt  }
0x78: {  	_ =	shalt  }
0x79: {  	_ =	shalt  }
0x7a: {  	_ =	shalt  }
0x7b: {  	_ =	shalt  }
0x7c: {  	_ =	shalt  }
0x7d: {  	_ =	shalt  }
0x7e: {  	_ =	shalt  }
0x7f: {  	_ =	shalt  }
0x80: {  	_ =	shalt  }
0x81: {  	_ =	shalt  }
0x82: {  	_ =	shalt  }
0x83: {  	_ =	shalt  }
0x84: {  	_ =	shalt  }
0x85: {  	_ =	shalt  }
0x86: {  	_ =	shalt  }
0x87: {  	_ =	shalt  }
.Lfunc_end0:
.L_simem_size_0:
called_computation.4_lowered:
.L_overlay_start_0:
0x88: {  	s2 =	sld [smem:$0x3FD9]  }
0x89: {  	s3 =	sld [smem:$0x3FFE];
	_ =	sdelay $0x1  }
0x8a: {  	s1 =	srdreg.scid  }
0x8b: {  	s0 =	sand.u32 $0x1, s1  }
0x8c: {  	s14 =	sshll.u32 s0, $0xA;
	s2 =	sadd.s32 s3, s2  }
0x8d: {  	s2 =	sadd.s32 s2, s14  }
0x8e: {  	[smem:$0x3FC4] =	sst s2  }
0x8f: {  	_ = 	snop  }
0x90: {  	s2 =	sld [smem:$0x3FD0];
	_ =	sdelay $0x2  }
0x91: {  	s15 =	simm.s32 $0xA;
	s4 =	simm.s32 $0x10  }
0x92: {  	[smem:s4], [sflag:s15] =	dma.local [hbm:s2], $0x1  }
0x93: {  	_ =	swait.eq [sflag:s15], $0x1  }
0x94: {  	[sflag:s15] =	ssyncset.done $0x0  }
0x95: {  	[sflag:s15] =	ssyncadd.s32 $0xFFFFFFFF  }
0x96: {  	s16 =	sld [smem:$0x10];
	(tm) =	ssettm $0x1  }
0x97: {  	s17 =	sld [smem:$0x3FFB];
	_ =	sdelay $0x3  }
0x98: {  	_ =	strace s17  }
0x99: {  	s3 =	sld [smem:$0x3FFC];
	_ =	sdelay $0x3  }
0x9a: {  	_ =	strace s3  }
0x9b: {  	s3 =	sld [smem:$0x3FFD];
	_ =	sdelay $0x3  }
0x9c: {  	_ =	strace s3  }
0x9d: {  	_ =	strace $0x8FFFFFFF  }
0x9e: {  	s18 =	sld [smem:$0x3FDB];
	_ =	sdelay $0x1  }
0x9f: {  	s19 =	simm.s32 $_scs_section_size  }
0xa0: {  	s5 =	simm.s32 $_size__tile_overlayer_lowered;
	s6 =	simm.s32 $_tile_overlayer_lowered  }
0xa1: {  	s22 =	simm.s32 $0x1BFF;
	s21 =	sshll.u32 s6, $0x1;
	s3 =	sadd.s32 s19, s18  }
0xa2: {  	s7 =	simm.s32 $0x0;
	s20 =	sshll.u32 s5, $0x1;
	s5 =	sadd.s32 s21, s3  }
0xa3: {  	[timem:s7], [sflag:s22] =	dma.local [hbm:s5], s20  }
0xa4: {  	_ =	swait.ge [sflag:s22], s20  }
0xa5: {  	s4 =	ssub.s32 $0x0, s20;
	[sflag:s22] =	ssyncset.done $0x0  }
0xa6: {  	[sflag:s22] =	ssyncadd.s32 s4;
	_ =	sdelay $0x1  }
0xa7: {  	s23 =	simm.s32 $0x1B8B  }
0xa8: {  	_ =	swait.ge [sflag:s23], $0x1  }
0xa9: {  	[sflag:s23] =	ssyncset.done $0x0  }
0xaa: {  	s25 =	simm.s32 $0x1B8E;
	s24 =	sld [smem:$0x3FFE];
	[sflag:s23] =	ssyncadd.s32 $0xFFFFFFFF  }
0xab: {  	s26 =	simm.s32 $execute0_lowered;
	[smem:$0x3FD2] =	sst s25  }
0xac: {  	s5 =	sshll.u32 s26, $0x1;
	_ =	strace $0x80000052;
	[dreg:$0x1] =	wrdreg $0xFFFFFFFF  }
0xad: {  	s28 =	simm.s32 $_size_execute0_lowered;
	s3 =	sadd.s32 s3, s5;
	[dreg:$0x0] =	wrdreg $0x0  }
0xae: {  	s5 =	sshll.u32 s28, $0x1;
	[dreg:$0x2] =	wrdreg s3  }
0xaf: {  	[dreg:$0x3] =	wrdreg s5  }
0xb0: {  	[dreg:$0x4] =	wrdreg $0xC0  }
0xb1: {  	_ =	task [dreg:s7], $0x5FFFF  }
0xb2: {  	[dreg:$0x1] =	wrdreg $0xFFFFFFFF  }
0xb3: {  	[dreg:$0x0] =	wrdreg $0x60  }
0xb4: {  	[dreg:$0x2] =	wrdreg s24  }
0xb5: {  	[dreg:$0x3] =	wrdreg s16  }
0xb6: {  	[dreg:$0x4] =	wrdreg $0x9  }
0xb7: {  	_ =	task.clear_ibuf [dreg:s7], $0x5FFFF;
	_ =	strace $0x90000052  }
0xb8: {  	s29 =	simm.s32 $0x9;
	_ =	strace $0x80000054  }
0xb9: {  	_ =	swait.ge [sflag:s29], $0x1  }
0xba: {  	[sflag:s29] =	ssyncadd.s32 $0xFFFFFFFF  }
0xbb: {  	_ =	strace $0x90000054  }
0xbc: {  	_ =	sfence  }
0xbd: {  	s30 =	sld [smem:$0x0];
	_ =	sdelay $0x2  }
0xbe: {  	s31 =	sshll.u32 s1, $0xD;
	s1 =	sshrl.u32 s1, $0x2  }
0xbf: {  	s3 =	sand.u32 $0x4000, s31;
	s1 =	sadd.s32 s1, s30  }
0xc0: {  	s0 =	sor.u32 s3, s0;
	s1 =	sshll.u32 s1, $0x11  }
0xc1: {  	s0 =	sor.u32 s1, s0  }
0xc2: {  	s0 =	sadd.s32 $0x8F2B, s0  }
0xc3: {  	[sflag:s0] =	ssyncadd.remote.s32 $0x1  }
0xc4: {  	_ =	sfence.sel $0xFFFF  }
0xc5: {  	[dreg:$0x0] =	wrdreg $0xFFFFFFFF;
	(pc) =	sbr.abs _section_cstart, $3  }
0xc6: {  	[dreg:$0x1] =	wrdreg $0xFFFFFFFF  }
0xc7: {  	_ =	task.clear_ibuf [dreg:s7], $0x2FFFF;
	_ =	strace $0x9FFFFFFF  }
0xc8: {  	(tm) =	ssettm $0x7FFFFFFF  }
0xc9: {  	_ =	shalt  }
tec
execute0_lowered:
.L_overlay_start_1:
0x0: {  	(tag) =	ssettag $0x1  }
0x1: {  	s1 =	srdreg.scid;
	s0 =	stileid.u32  }
0x2: {  	s2 =	rddreg [dreg:$0x0];
	s6 =	sand.u32 $0x1, s1;
	s30 =	sshll.u32 s0, $0x1  }
0x3: {  	s8 =	rddreg [dreg:$0x1];
	s3 =	simm.s32 $0x0;
	s9 =	sor.u32 s6, s30  }
0x4: {  	[smem:$0x7FF] =	sst s3;
	s4 =	sshll.u32 s9, $0x4  }
0x5: {  	s1 =	rddreg [dreg:$0x2];
	_ =	strace $0x80000053;
	s4 =	sadd.s32 s4, s2  }
0x6: {  	s10 =	ssub.s32 $0x2, s6;
	s5 =	sadd.s32 $0x20600, s4;
	s4 =	simm.s32 $0x2  }
0x7: {  	[tilespmem:s3], [sflag:$0x2] =	stream.linear.gather [hbm4b:s5+s3], $0x80, $0x38;
	[tilespmem:$0x4080] =	vst v63  }
0x8: {  	s11 =	sshrl.u32 s10, $0x1;
	_ =	swait.ge [sflag:s4], $0x80  }
0x9: {  	s7 =	simm.s32 $0x1;
	s10 =	ssub.s32 s10, s11;
	[sflag:s4] =	ssyncset.done $0x0  }
0xa: {  	s6 =	simm.s32 $0x80;
	s31 =	smax.u32 s10, $0x1;
	[sflag:s4] =	ssyncadd.s32 $0xFFFFFF80  }
0xb: {  	[tilespmem:s6], [sflag:$0x1] =	stream.indirect.gather [hbm4b:s2+s6], $0x80, s3, s6, $0xb8;
	[tilespmem:$0x4080] =	vst v63  }
0xc: {  	p0 =	sne.s32 s31, $0x1;
	_ =	swait.ge [sflag:s7], $0x4000  }
.Ltmp0:
0xd: {  	s9 =	sshll.u32 s9, $0xB;
	[sflag:s7] =	ssyncset.done $0x0;
	(pc) =	sbr.rel @!p0 .LBB2_2-.Ltmp0, $4  }
0xe: {  	s8 =	sadd.s32 s8, s9;
	[sflag:s7] =	ssyncadd.s32 $0xFFFFC000  }
0xf: {  	[hbm4b:s8+s3] =	stream.linear.scatter [tilespmem:s6], [sflag:$0x2], $0x4000, $0x38;
	[tilespmem:$0x4080] =	vst v63  }
0x10: {  	_ =	swait.ge [sflag:s4], $0x4000  }
0x11: {  	s9 =	sadd.s32 $0xFFFFFFFF, s31;
	[sflag:s4] =	ssyncset.done $0x0  }
.LBB2_1:
0x12: {  	p0 =	sne.s32 s9, $0x1;
	s9 =	sadd.s32 $0xFFFFFFFF, s9;
	[sflag:s4] =	ssyncadd.s32 $0xFFFFC000  }
0x13: {  	[tilespmem:s3], [sflag:$0x2] =	stream.linear.gather [hbm4b:s5+s3], $0x80, $0x38;
	[tilespmem:$0x4080] =	vst v63  }
0x14: {  	_ =	swait.ge [sflag:s4], $0x80  }
0x15: {  	[sflag:s4] =	ssyncset.done $0x0  }
0x16: {  	[sflag:s4] =	ssyncadd.s32 $0xFFFFFF80  }
0x17: {  	[tilespmem:s6], [sflag:$0x1] =	stream.indirect.gather [hbm4b:s2+s6], $0x80, s3, s6, $0xb8;
	[tilespmem:$0x4080] =	vst v63  }
0x18: {  	_ =	swait.ge [sflag:s7], $0x4000  }
.Ltmp1:
0x19: {  	[sflag:s7] =	ssyncset.done $0x0;
	(pc) =	sbr.rel @p0 .LBB2_1-.Ltmp1, $4  }
0x1a: {  	[sflag:s7] =	ssyncadd.s32 $0xFFFFC000  }
0x1b: {  	[hbm4b:s8+s3] =	stream.linear.scatter [tilespmem:s6], [sflag:$0x2], $0x4000, $0x38;
	[tilespmem:$0x4080] =	vst v63  }
0x1c: {  	_ =	swait.ge [sflag:s4], $0x4000  }
0x1d: {  	[sflag:s4] =	ssyncset.done $0x0  }
.LBB2_2:
0x1e: {  	[sflag:s4] =	ssyncadd.s32 $0xFFFFC000  }
0x1f: {  	_ =	sfence.sel $0x180000  }
0x20: {  	[bflag:$0x0] =	sbarrier.arrive $0xFFFF  }
0x21: {  	p0 =	sne.s32 s0, $0x0;
	_ =	strace $0x90000053  }
0x22: {  	s0 =	sadd.s32 @!p0 $0x100000, s1;
	[bflag:$0x2] =	sbarrier.arrive $0xFFFF  }
0x23: {  	[sflag:s0] =	ssyncadd.tile.s32 @!p0 $0x1;
	_ =	shalt  }
.Lfunc_end2:
_tile_overlayer_lowered:
.L_overlay_start_2:
0x24: {  	(tag) =	ssettag $0x2  }
0x25: {  	s0 =	rddreg [dreg:$0x0];
	s2 =	stileid.u32  }
0x26: {  	s1 =	rddreg [dreg:$0x1];
	p0 =	sne.s32 s2, $0x0  }
0x27: {  	s3 =	rddreg [dreg:$0x2];
	[bflag:$0x3] =	sbarrier.arrive $0xFFFF;
	s2 =	simm.s32 @!p0 $0x1C02  }
0x28: {  	[timem:s3], [sflag:s2] =	dma.local @!p0 [hbm:s0], s1  }
0x29: {  	s0 =	simm.s32 @!p0 $0x2  }
0x2a: {  	_ =	swait.ge @!p0 [sflag:s0], s1  }
0x2b: {  	s1 =	ssub.s32 @!p0 $0x0, s1;
	[sflag:s0] =	ssyncset.done @!p0 $0x0  }
0x2c: {  	[sflag:s0] =	ssyncadd.s32 @!p0 s1  }
0x2d: {  	[bflag:$0x3] =	sbarrier.arrive $0xFFFF  }
0x2e: {  	_ =	shalt  }

// kernel: kernel.29.cloned.1.call-start
scs
__scs_entry_jumppad:
0x0: {  	(pc) =	sbr.rel $0x88, $3  }
0x1: {  	(tag) =	ssettag $0x0;
	lr =	simm.s32 $0x1  }
0x2: {  	[smem:$0x3F9D] =	sst lr;
	_ =	strace $0xD0000000  }
0x3: {  	_ = 	snop  }
0x4: {  	_ = 	snop  }
0x5: {  	_ = 	snop  }
0x6: {  	_ = 	snop  }
0x7: {  	_ = 	snop  }
__scs_overlays_trampoline_lowered:
0x8: {  	[smem:$0x3FAC] =	sst s0  }
0x9: {  	[smem:$0x3FAD] =	sst s1  }
0xa: {  	[smem:$0x3FAE] =	sst s2  }
0xb: {  	[smem:$0x3FAF] =	sst s3  }
0xc: {  	[smem:$0x3FB0] =	sst s4  }
0xd: {  	[smem:$0x3FB1] =	sst s5  }
0xe: {  	[smem:$0x3FB2] =	sst s6  }
0xf: {  	[smem:$0x3FB3] =	sst s7  }
0x10: {  	[smem:$0x3FB4] =	sst s8  }
0x11: {  	[smem:$0x3FB5] =	sst s9;
	s0 =	simm.s32 @!p0 $0x0  }
0x12: {  	s1 =	sld [smem:$0x3F9B];
	s0 =	simm.s32 @p0 $0x1  }
0x13: {  	[smem:$0x3FB6] =	sst s0;
	s0 =	simm.s32 @!p1 $0x0  }
0x14: {  	s2 =	sld [smem:$0x3F9A];
	s0 =	simm.s32 @p1 $0x1  }
0x15: {  	[smem:$0x3FB7] =	sst s0;
	s0 =	simm.s32 @!p2 $0x0  }
0x16: {  	s3 =	sld [smem:$0x3FDB];
	s0 =	simm.s32 @p2 $0x1  }
0x17: {  	s4 =	simm.s32 $0x1BF5;
	[smem:$0x3FB9] =	sst s0  }
0x18: {  	s0 =	sld [smem:$0x3F9C];
	_ =	swait.ge [sflag:s4], $0x0  }
0x19: {  	s7 =	sld [smem:$0x3F9D]  }
0x1a: {  	s8 =	sadd.s32 $0xFFFFE003, lr  }
0x1b: {  	s9 =	sadd.s32 $0xFFFFFEF7, lr;
	s5 =	simm.s32 $0xFFFFFFFF;
	p2 =	slt.u32 s8, $0xFFFFF086  }
0x1c: {  	p1 =	slt.u32 s9, $0xF7A;
	s5 =	simm.s32 @!p2 $0x0  }
0x1d: {  	s5 =	simm.s32 @p1 $0x1;
	p0 =	seq.s32 s7, s2  }
0x1e: {  	s7 =	smul.u32 @!p0 $0xF7A, s2;
	p2 =	seq.s32 @!p0 s5, $0x0  }
0x1f: {  	s9 =	smul.u32 $0xF7A, s1;
	s8 =	simm.s32 @!p0 $0x1BF5;
	p2 =	por !p2, p0  }
0x20: {  	[sflag:s8] =	ssyncset.s32 @!p0 $0xFFFFF086;
	s6 =	sadd.s32 @!p0 s3, s7;
	s7 =	simm.s32 @!p0 $0x108  }
0x21: {  	s3 =	sadd.s32 s3, s9;
	s6 =	sadd.s32 @!p0 $0x88, s6;
	s7 =	simm.s32 @p2 $0x1082  }
0x22: {  	[simem:s7], [sflag:s8] =	dma.local @!p0 [hbm:s6], $0xF7A  }
0x23: {  	s9 =	sor.u32 $0xD0000000, s2;
	s6 =	simm.s32 $0x108;
	_ =	swait.ge @!p0 [sflag:s8], $0x0  }
0x24: {  	s3 =	sadd.s32 $0x88, s3;
	s6 =	simm.s32 @!p1 $0x1082;
	[sflag:s4] =	ssyncset.s32 $0xFFFFF086  }
0x25: {  	[simem:s6], [sflag:s4] =	dma.local [hbm:s3], $0xF7A  }
0x26: {  	[smem:$0x3F9D] =	sst s1;
	(tag) =	ssettag s2;
	_ =	strace s9  }
0x27: {  	s1 =	sld [smem:$0x3FAD]  }
0x28: {  	s2 =	sld [smem:$0x3FAE]  }
0x29: {  	s4 =	sld [smem:$0x3FB0]  }
0x2a: {  	p0 =	seq.s32 s5, $0x0;
	s5 =	sld [smem:$0x3FB1]  }
0x2b: {  	s6 =	sld [smem:$0x3FB2]  }
0x2c: {  	s7 =	sld [smem:$0x3FB3]  }
0x2d: {  	s3 =	simm.s32 $0x108;
	s8 =	sld [smem:$0x3FB4]  }
0x2e: {  	s3 =	simm.s32 @!p0 $0x1082;
	s9 =	sld [smem:$0x3FB5]  }
0x2f: {  	lr =	sadd.s32 s0, s3;
	s0 =	sld [smem:$0x3FAC]  }
0x30: {  	s3 =	sld [smem:$0x3FAF]  }
0x31: {  	[smem:$0x3FB8] =	sst s10  }
0x32: {  	s10 =	sld [smem:$0x3FB6];
	_ =	sdelay $0x3  }
0x33: {  	p0 =	seq.s32 s10, $0x1;
	s10 =	sld [smem:$0x3FB8];
	_ =	sdelay $0x3  }
0x34: {  	[smem:$0x3FB8] =	sst s10  }
0x35: {  	s10 =	sld [smem:$0x3FB7];
	_ =	sdelay $0x3  }
0x36: {  	p1 =	seq.s32 s10, $0x1;
	s10 =	sld [smem:$0x3FB8];
	_ =	sdelay $0x3  }
0x37: {  	[smem:$0x3FB8] =	sst s10  }
0x38: {  	s10 =	sld [smem:$0x3FB9]  }
0x39: {  	_ = 	snop;
	(pc) =	sbr.ind lr, $3  }
0x3a: {  	_ = 	snop  }
0x3b: {  	_ = 	snop  }
0x3c: {  	p2 =	seq.s32 s10, $0x1;
	s10 =	sld [smem:$0x3FB8]  }
0x3d: {  	_ =	shalt  }
0x3e: {  	_ =	shalt  }
0x3f: {  	_ =	shalt  }
0x40: {  	_ =	shalt  }
0x41: {  	_ =	shalt  }
0x42: {  	_ =	shalt  }
0x43: {  	_ =	shalt  }
0x44: {  	_ =	shalt  }
0x45: {  	_ =	shalt  }
0x46: {  	_ =	shalt  }
0x47: {  	_ =	shalt  }
0x48: {  	_ =	shalt  }
0x49: {  	_ =	shalt  }
0x4a: {  	_ =	shalt  }
0x4b: {  	_ =	shalt  }
0x4c: {  	_ =	shalt  }
0x4d: {  	_ =	shalt  }
0x4e: {  	_ =	shalt  }
0x4f: {  	_ =	shalt  }
0x50: {  	_ =	shalt  }
0x51: {  	_ =	shalt  }
0x52: {  	_ =	shalt  }
0x53: {  	_ =	shalt  }
0x54: {  	_ =	shalt  }
0x55: {  	_ =	shalt  }
0x56: {  	_ =	shalt  }
0x57: {  	_ =	shalt  }
0x58: {  	_ =	shalt  }
0x59: {  	_ =	shalt  }
0x5a: {  	_ =	shalt  }
0x5b: {  	_ =	shalt  }
0x5c: {  	_ =	shalt  }
0x5d: {  	_ =	shalt  }
0x5e: {  	_ =	shalt  }
0x5f: {  	_ =	shalt  }
0x60: {  	_ =	shalt  }
0x61: {  	_ =	shalt  }
0x62: {  	_ =	shalt  }
0x63: {  	_ =	shalt  }
0x64: {  	_ =	shalt  }
0x65: {  	_ =	shalt  }
0x66: {  	_ =	shalt  }
0x67: {  	_ =	shalt  }
0x68: {  	_ =	shalt  }
0x69: {  	_ =	shalt  }
0x6a: {  	_ =	shalt  }
0x6b: {  	_ =	shalt  }
0x6c: {  	_ =	shalt  }
0x6d: {  	_ =	shalt  }
0x6e: {  	_ =	shalt  }
0x6f: {  	_ =	shalt  }
0x70: {  	_ =	shalt  }
0x71: {  	_ =	shalt  }
0x72: {  	_ =	shalt  }
0x73: {  	_ =	shalt  }
0x74: {  	_ =	shalt  }
0x75: {  	_ =	shalt  }
0x76: {  	_ =	shalt  }
0x77: {  	_ =	shalt  }
0x78: {  	_ =	shalt  }
0x79: {  	_ =	shalt  }
0x7a: {  	_ =	shalt  }
0x7b: {  	_ =	shalt  }
0x7c: {  	_ =	shalt  }
0x7d: {  	_ =	shalt  }
0x7e: {  	_ =	shalt  }
0x7f: {  	_ =	shalt  }
0x80: {  	_ =	shalt  }
0x81: {  	_ =	shalt  }
0x82: {  	_ =	shalt  }
0x83: {  	_ =	shalt  }
0x84: {  	_ =	shalt  }
0x85: {  	_ =	shalt  }
0x86: {  	_ =	shalt  }
0x87: {  	_ =	shalt  }
.Lfunc_end0:
.L_simem_size_0:
called_computation.5_lowered:
.L_overlay_start_0:
0x88: {  	s2 =	sld [smem:$0x3FD9]  }
0x89: {  	s3 =	sld [smem:$0x3FFE];
	_ =	sdelay $0x1  }
0x8a: {  	s1 =	srdreg.scid  }
0x8b: {  	s0 =	sand.u32 $0x1, s1  }
0x8c: {  	s14 =	sshll.u32 s0, $0xA;
	s2 =	sadd.s32 s3, s2  }
0x8d: {  	s2 =	sadd.s32 s2, s14  }
0x8e: {  	[smem:$0x3FC4] =	sst s2  }
0x8f: {  	_ = 	snop  }
0x90: {  	s2 =	sld [smem:$0x3FD0];
	_ =	sdelay $0x2  }
0x91: {  	s15 =	simm.s32 $0xA;
	s4 =	simm.s32 $0x10  }
0x92: {  	[smem:s4], [sflag:s15] =	dma.local [hbm:s2], $0x1  }
0x93: {  	_ =	swait.eq [sflag:s15], $0x1  }
0x94: {  	[sflag:s15] =	ssyncset.done $0x0  }
0x95: {  	[sflag:s15] =	ssyncadd.s32 $0xFFFFFFFF  }
0x96: {  	s16 =	sld [smem:$0x10];
	(tm) =	ssettm $0x1  }
0x97: {  	s17 =	sld [smem:$0x3FFB];
	_ =	sdelay $0x3  }
0x98: {  	_ =	strace s17  }
0x99: {  	s3 =	sld [smem:$0x3FFC];
	_ =	sdelay $0x3  }
0x9a: {  	_ =	strace s3  }
0x9b: {  	s3 =	sld [smem:$0x3FFD];
	_ =	sdelay $0x3  }
0x9c: {  	_ =	strace s3  }
0x9d: {  	_ =	strace $0x8FFFFFFF  }
0x9e: {  	s18 =	sld [smem:$0x3FDB];
	_ =	sdelay $0x1  }
0x9f: {  	s19 =	simm.s32 $_scs_section_size  }
0xa0: {  	s5 =	simm.s32 $_size__tile_overlayer_lowered;
	s6 =	simm.s32 $_tile_overlayer_lowered  }
0xa1: {  	s22 =	simm.s32 $0x1BFF;
	s21 =	sshll.u32 s6, $0x1;
	s3 =	sadd.s32 s19, s18  }
0xa2: {  	s7 =	simm.s32 $0x0;
	s20 =	sshll.u32 s5, $0x1;
	s5 =	sadd.s32 s21, s3  }
0xa3: {  	[timem:s7], [sflag:s22] =	dma.local [hbm:s5], s20  }
0xa4: {  	_ =	swait.ge [sflag:s22], s20  }
0xa5: {  	s4 =	ssub.s32 $0x0, s20;
	[sflag:s22] =	ssyncset.done $0x0  }
0xa6: {  	[sflag:s22] =	ssyncadd.s32 s4;
	_ =	sdelay $0x1  }
0xa7: {  	s23 =	simm.s32 $0x1B8B  }
0xa8: {  	_ =	swait.ge [sflag:s23], $0x1  }
0xa9: {  	[sflag:s23] =	ssyncset.done $0x0  }
0xaa: {  	s25 =	simm.s32 $0x1B8E;
	s24 =	sld [smem:$0x3FFE];
	[sflag:s23] =	ssyncadd.s32 $0xFFFFFFFF  }
0xab: {  	s26 =	simm.s32 $execute0_lowered;
	[smem:$0x3FD2] =	sst s25  }
0xac: {  	s5 =	sshll.u32 s26, $0x1;
	_ =	strace $0x80000055;
	[dreg:$0x1] =	wrdreg $0xFFFFFFFF  }
0xad: {  	s28 =	simm.s32 $_size_execute0_lowered;
	s3 =	sadd.s32 s3, s5;
	[dreg:$0x0] =	wrdreg $0x0  }
0xae: {  	s5 =	sshll.u32 s28, $0x1;
	[dreg:$0x2] =	wrdreg s3  }
0xaf: {  	[dreg:$0x3] =	wrdreg s5  }
0xb0: {  	[dreg:$0x4] =	wrdreg $0xC0  }
0xb1: {  	_ =	task [dreg:s7], $0x5FFFF  }
0xb2: {  	[dreg:$0x1] =	wrdreg $0xFFFFFFFF  }
0xb3: {  	[dreg:$0x0] =	wrdreg $0x60  }
0xb4: {  	[dreg:$0x2] =	wrdreg s24  }
0xb5: {  	[dreg:$0x3] =	wrdreg s16  }
0xb6: {  	[dreg:$0x4] =	wrdreg $0x9  }
0xb7: {  	_ =	task.clear_ibuf [dreg:s7], $0x5FFFF;
	_ =	strace $0x90000055  }
0xb8: {  	s29 =	simm.s32 $0x9;
	_ =	strace $0x80000057  }
0xb9: {  	_ =	swait.ge [sflag:s29], $0x1  }
0xba: {  	[sflag:s29] =	ssyncadd.s32 $0xFFFFFFFF  }
0xbb: {  	_ =	strace $0x90000057  }
0xbc: {  	_ =	sfence  }
0xbd: {  	s30 =	sld [smem:$0x0];
	_ =	sdelay $0x2  }
0xbe: {  	s31 =	sshll.u32 s1, $0xD;
	s1 =	sshrl.u32 s1, $0x2  }
0xbf: {  	s3 =	sand.u32 $0x4000, s31;
	s1 =	sadd.s32 s1, s30  }
0xc0: {  	s0 =	sor.u32 s3, s0;
	s1 =	sshll.u32 s1, $0x11  }
0xc1: {  	s0 =	sor.u32 s1, s0  }
0xc2: {  	s0 =	sadd.s32 $0x8F2B, s0  }
0xc3: {  	[sflag:s0] =	ssyncadd.remote.s32 $0x1  }
0xc4: {  	_ =	sfence.sel $0xFFFF  }
0xc5: {  	[dreg:$0x0] =	wrdreg $0xFFFFFFFF;
	(pc) =	sbr.abs _section_cstart, $3  }
0xc6: {  	[dreg:$0x1] =	wrdreg $0xFFFFFFFF  }
0xc7: {  	_ =	task.clear_ibuf [dreg:s7], $0x2FFFF;
	_ =	strace $0x9FFFFFFF  }
0xc8: {  	(tm) =	ssettm $0x7FFFFFFF  }
0xc9: {  	_ =	shalt  }
tec
execute0_lowered:
.L_overlay_start_1:
0x0: {  	(tag) =	ssettag $0x1  }
0x1: {  	s2 =	rddreg [dreg:$0x0]  }
0x2: {  	s1 =	srdreg.scid;
	s0 =	stileid.u32  }
0x3: {  	s4 =	rddreg [dreg:$0x1];
	s14 =	sand.u32 $0x1, s1;
	s5 =	sshll.u32 s0, $0x1  }
0x4: {  	s3 =	simm.s32 $0x0;
	s1 =	rddreg [dreg:$0x2];
	s15 =	sor.u32 s14, s5  }
0x5: {  	[smem:$0x7FF] =	sst s3;
	s5 =	sshll.u32 s15, $0x6  }
0x6: {  	_ =	strace $0x80000056;
	s5 =	sadd.s32 s4, s5;
	s4 =	simm.s32 $0x2  }
0x7: {  	[tilespmem:s3], [sflag:$0x2] =	stream.linear.gather [hbm4b:s5+s3], $0x200, $0x38;
	[tilespmem:$0x10200] =	vst v63  }
0x8: {  	_ =	swait.ge [sflag:s4], $0x200  }
0x9: {  	[sflag:s4] =	ssyncset.done $0x0  }
0xa: {  	s6 =	simm.s32 $0x80;
	s7 =	simm.s32 $0x200;
	[sflag:s4] =	ssyncadd.s32 $0xFFFFFE00  }
0xb: {  	[tilespmem:s7], [sflag:$0x1] =	stream.indirect.gather [hbm4b:s2+s6], $0x80, s3, s6, $0xb8;
	[tilespmem:$0x10200] =	vst v63  }
0xc: {  	s8 =	simm.s32 $0x4200  }
0xd: {  	[tilespmem:s8], [sflag:$0x1] =	stream.indirect.gather [hbm4b:s2+s6], $0x80, s6, s6, $0xb8;
	[tilespmem:$0x10200] =	vst v63  }
0xe: {  	s9 =	simm.s32 $0x100;
	s10 =	simm.s32 $0x8200  }
0xf: {  	[tilespmem:s10], [sflag:$0x1] =	stream.indirect.gather [hbm4b:s2+s6], $0x80, s9, s6, $0xb8;
	[tilespmem:$0x10200] =	vst v63  }
0x10: {  	s11 =	simm.s32 $0x180;
	s12 =	simm.s32 $0xC200;
	s13 =	simm.s32 $0x1  }
0x11: {  	[tilespmem:s12], [sflag:$0x1] =	stream.indirect.gather [hbm4b:s2+s6], $0x80, s11, s6, $0xb8;
	[tilespmem:$0x10200] =	vst v63  }
0x12: {  	_ =	swait.ge [sflag:s13], $0x4000  }
0x13: {  	[sflag:s13] =	ssyncset.done $0x0  }
0x14: {  	[sflag:s13] =	ssyncadd.s32 $0xFFFFC000  }
0x15: {  	_ =	swait.ge [sflag:s13], $0x4000  }
0x16: {  	[sflag:s13] =	ssyncset.done $0x0  }
0x17: {  	s14 =	ssub.s32 $0x2, s14;
	[sflag:s13] =	ssyncadd.s32 $0xFFFFC000  }
0x18: {  	s16 =	sshrl.u32 s14, $0x1;
	_ =	swait.ge [sflag:s13], $0x4000  }
0x19: {  	s16 =	ssub.s32 s14, s16;
	[sflag:s13] =	ssyncset.done $0x0  }
0x1a: {  	s31 =	smax.u32 s16, $0x1;
	[sflag:s13] =	ssyncadd.s32 $0xFFFFC000  }
0x1b: {  	s15 =	sshll.u32 s15, $0xD;
	p0 =	sne.s32 s31, $0x1;
	_ =	swait.ge [sflag:s13], $0x4000  }
.Ltmp0:
0x1c: {  	s30 =	sadd.s32 s15, s2;
	[sflag:s13] =	ssyncset.done $0x0;
	(pc) =	sbr.rel @!p0 .LBB2_2-.Ltmp0, $4  }
0x1d: {  	s14 =	sadd.s32 $0x20600, s30;
	[sflag:s13] =	ssyncadd.s32 $0xFFFFC000  }
0x1e: {  	[hbm4b:s14+s3] =	stream.linear.scatter [tilespmem:s7], [sflag:$0x2], $0x10000, $0x38;
	[tilespmem:$0x10200] =	vst v63  }
0x1f: {  	_ =	swait.ge [sflag:s4], $0x10000  }
0x20: {  	s15 =	sadd.s32 $0xFFFFFFFF, s31;
	[sflag:s4] =	ssyncset.done $0x0  }
.LBB2_1:
0x21: {  	p0 =	sne.s32 s15, $0x1;
	s15 =	sadd.s32 $0xFFFFFFFF, s15;
	[sflag:s4] =	ssyncadd.s32 $0xFFFF0000  }
0x22: {  	[tilespmem:s3], [sflag:$0x2] =	stream.linear.gather [hbm4b:s5+s3], $0x200, $0x38;
	[tilespmem:$0x10200] =	vst v63  }
0x23: {  	_ =	swait.ge [sflag:s4], $0x200  }
0x24: {  	[sflag:s4] =	ssyncset.done $0x0  }
0x25: {  	[sflag:s4] =	ssyncadd.s32 $0xFFFFFE00  }
0x26: {  	[tilespmem:s7], [sflag:$0x1] =	stream.indirect.gather [hbm4b:s2+s6], $0x80, s3, s6, $0xb8;
	[tilespmem:$0x10200] =	vst v63  }
0x27: {  	_ = 	snop  }
0x28: {  	[tilespmem:s8], [sflag:$0x1] =	stream.indirect.gather [hbm4b:s2+s6], $0x80, s6, s6, $0xb8;
	[tilespmem:$0x10200] =	vst v63  }
0x29: {  	_ = 	snop  }
0x2a: {  	[tilespmem:s10], [sflag:$0x1] =	stream.indirect.gather [hbm4b:s2+s6], $0x80, s9, s6, $0xb8;
	[tilespmem:$0x10200] =	vst v63  }
0x2b: {  	_ = 	snop  }
0x2c: {  	[tilespmem:s12], [sflag:$0x1] =	stream.indirect.gather [hbm4b:s2+s6], $0x80, s11, s6, $0xb8;
	[tilespmem:$0x10200] =	vst v63  }
0x2d: {  	_ =	swait.ge [sflag:s13], $0x4000  }
0x2e: {  	[sflag:s13] =	ssyncset.done $0x0  }
0x2f: {  	[sflag:s13] =	ssyncadd.s32 $0xFFFFC000  }
0x30: {  	_ =	swait.ge [sflag:s13], $0x4000  }
0x31: {  	[sflag:s13] =	ssyncset.done $0x0  }
0x32: {  	[sflag:s13] =	ssyncadd.s32 $0xFFFFC000  }
0x33: {  	_ =	swait.ge [sflag:s13], $0x4000  }
0x34: {  	[sflag:s13] =	ssyncset.done $0x0  }
0x35: {  	[sflag:s13] =	ssyncadd.s32 $0xFFFFC000  }
0x36: {  	_ =	swait.ge [sflag:s13], $0x4000  }
.Ltmp1:
0x37: {  	[sflag:s13] =	ssyncset.done $0x0;
	(pc) =	sbr.rel @p0 .LBB2_1-.Ltmp1, $4  }
0x38: {  	[sflag:s13] =	ssyncadd.s32 $0xFFFFC000  }
0x39: {  	[hbm4b:s14+s3] =	stream.linear.scatter [tilespmem:s7], [sflag:$0x2], $0x10000, $0x38;
	[tilespmem:$0x10200] =	vst v63  }
0x3a: {  	_ =	swait.ge [sflag:s4], $0x10000  }
0x3b: {  	[sflag:s4] =	ssyncset.done $0x0  }
.LBB2_2:
0x3c: {  	[sflag:s4] =	ssyncadd.s32 $0xFFFF0000  }
0x3d: {  	_ =	sfence.sel $0x180000  }
0x3e: {  	[bflag:$0x0] =	sbarrier.arrive $0xFFFF  }
0x3f: {  	p0 =	sne.s32 s0, $0x0;
	_ =	strace $0x90000056  }
0x40: {  	s0 =	sadd.s32 @!p0 $0x100000, s1;
	[bflag:$0x2] =	sbarrier.arrive $0xFFFF  }
0x41: {  	[sflag:s0] =	ssyncadd.tile.s32 @!p0 $0x1;
	_ =	shalt  }
.Lfunc_end2:
_tile_overlayer_lowered:
.L_overlay_start_2:
0x42: {  	(tag) =	ssettag $0x2  }
0x43: {  	s0 =	rddreg [dreg:$0x0];
	s2 =	stileid.u32  }
0x44: {  	s1 =	rddreg [dreg:$0x1];
	p0 =	sne.s32 s2, $0x0  }
0x45: {  	s3 =	rddreg [dreg:$0x2];
	[bflag:$0x3] =	sbarrier.arrive $0xFFFF;
	s2 =	simm.s32 @!p0 $0x1C02  }
0x46: {  	[timem:s3], [sflag:s2] =	dma.local @!p0 [hbm:s0], s1  }
0x47: {  	s0 =	simm.s32 @!p0 $0x2  }
0x48: {  	_ =	swait.ge @!p0 [sflag:s0], s1  }
0x49: {  	s1 =	ssub.s32 @!p0 $0x0, s1;
	[sflag:s0] =	ssyncset.done @!p0 $0x0  }
0x4a: {  	[sflag:s0] =	ssyncadd.s32 @!p0 s1  }
0x4b: {  	[bflag:$0x3] =	sbarrier.arrive $0xFFFF  }
0x4c: {  	_ =	shalt  }

</sc_bundles>
